<compile_context>
chip_gen: v7x
topology: tpu7x:2x2x1
jax: 0.10.2.dev20260603
libtpu: 0.0.44.dev20260713+nightly
codegen_flags: <defaults>
</compile_context>

<pallas_src>
import functools

import jax
import jax.numpy as jnp
from jax import lax
from jax.experimental import pallas as pl
from jax.experimental.pallas import tpu as pltpu
from jax.experimental.pallas import tpu_sc as plsc

D_MODEL = 384
PATCH_LEN = 96
MAX_PATCHES = 48
NUM_CH = 16
EMBED_DIM = 512
CHAN_VOCAB = 64
B_SZ = 16
CHUNK_P = 8
CHUNK_ROWS = CHUNK_P * NUM_CH
N_LOOKUPS = B_SZ * NUM_CH

_NC, _NS = 2, 16
_NW = _NC * _NS
_ROWS_PER_W = N_LOOKUPS // _NW


def _sc_gather_kernel(table_hbm, idx_hbm, out_hbm, idx_v, rows_v, sem):
    wid = lax.axis_index("s") * _NC + lax.axis_index("c")
    base = wid * _ROWS_PER_W
    pltpu.sync_copy(idx_hbm.at[pl.ds(base, _ROWS_PER_W)], idx_v)
    pltpu.async_copy(table_hbm.at[idx_v], rows_v, sem).wait()
    pltpu.sync_copy(rows_v, out_hbm.at[pl.ds(base, _ROWS_PER_W)])


_sc_gather = functools.partial(
    pl.kernel,
    mesh=plsc.VectorSubcoreMesh(core_axis_name="c", subcore_axis_name="s"),
    out_type=jax.ShapeDtypeStruct((N_LOOKUPS, D_MODEL), jnp.float32),
    scratch_types=[
        pltpu.VMEM((_ROWS_PER_W,), jnp.int32),
        pltpu.VMEM((_ROWS_PER_W, D_MODEL), jnp.float32),
        pltpu.SemaphoreType.DMA,
    ],
)(_sc_gather_kernel)


def _fused_kernel(num_patches_ref,
                  x_ref, wenc_ref, benc_ref, gathered_ref,
                  w1_ref, b1_ref, w2_ref, b2_ref,
                  out_ref, pooled_ref):
    C, D = NUM_CH, D_MODEL
    r_iota = lax.broadcasted_iota(jnp.int32, (1, CHUNK_ROWS), 1)
    wenc = wenc_ref[...]
    benc = benc_ref[...]

    for b in range(B_SZ):
        chan_table = gathered_ref[b * C:(b + 1) * C, :] + benc
        chan_tiled = jnp.concatenate([chan_table] * CHUNK_P, axis=0)

        np_b = num_patches_ref[b]
        n_chunks = (np_b + CHUNK_P - 1) // CHUNK_P

        def chunk_body(kk, acc, b=b, chan_tiled=chan_tiled, np_b=np_b):
            x = x_ref[b, pl.ds(kk * CHUNK_ROWS, CHUNK_ROWS), :]
            enc = jnp.dot(x, wenc,
                          preferred_element_type=jnp.float32)
            enc = jax.nn.gelu(enc + chan_tiled)
            mvec = (r_iota < (np_b - kk * CHUNK_P) * C).astype(jnp.bfloat16)
            return acc + jnp.dot(mvec, enc.astype(jnp.bfloat16),
                                 preferred_element_type=jnp.float32)

        acc0 = jnp.zeros((1, D), jnp.float32)
        pooled = lax.fori_loop(0, n_chunks, chunk_body, acc0)
        denom = jnp.maximum(np_b * C, 1).astype(jnp.float32)
        pooled_ref[pl.ds(b, 1), :] = pooled / denom

    pooled_all = pooled_ref[...].astype(jnp.bfloat16)
    h = jax.nn.gelu(jnp.dot(pooled_all, w1_ref[...],
                            preferred_element_type=jnp.float32)
                    + b1_ref[...])
    emb = jnp.dot(h.astype(jnp.bfloat16), w2_ref[...],
                  preferred_element_type=jnp.float32) + b2_ref[...]
    norm = jnp.sqrt(jnp.sum(emb * emb, axis=1, keepdims=True))
    out_ref[...] = emb / jnp.maximum(norm, 1e-6)


def kernel(data, channel_ids, channel_mask, sampling_rates, patch_sizes,
           num_patches, W_enc, b_enc, chan_emb, W1, b1, W2, b2):
    B, T, C = data.shape
    P = T // PATCH_LEN
    x = data.reshape(B, P, PATCH_LEN, C)
    x = jnp.swapaxes(x, 2, 3).reshape(B, P * C, PATCH_LEN).astype(jnp.bfloat16)

    gathered = _sc_gather(chan_emb,
                          channel_ids.reshape(-1).astype(jnp.int32))

    grid_spec = pltpu.PrefetchScalarGridSpec(
        num_scalar_prefetch=1,
        grid=(1,),
        in_specs=[
            pl.BlockSpec((B, P * C, PATCH_LEN), lambda i, *_: (0, 0, 0)),
            pl.BlockSpec((PATCH_LEN, D_MODEL), lambda i, *_: (0, 0)),
            pl.BlockSpec((1, D_MODEL), lambda i, *_: (0, 0)),
            pl.BlockSpec((N_LOOKUPS, D_MODEL), lambda i, *_: (0, 0)),
            pl.BlockSpec((D_MODEL, D_MODEL), lambda i, *_: (0, 0)),
            pl.BlockSpec((1, D_MODEL), lambda i, *_: (0, 0)),
            pl.BlockSpec((D_MODEL, EMBED_DIM), lambda i, *_: (0, 0)),
            pl.BlockSpec((1, EMBED_DIM), lambda i, *_: (0, 0)),
        ],
        out_specs=pl.BlockSpec((B_SZ, EMBED_DIM), lambda i, *_: (0, 0)),
        scratch_shapes=[pltpu.VMEM((B_SZ, D_MODEL), jnp.float32)],
    )

    out = pl.pallas_call(
        _fused_kernel,
        grid_spec=grid_spec,
        out_shape=jax.ShapeDtypeStruct((B, EMBED_DIM), jnp.float32),
    )(
        num_patches.astype(jnp.int32),
        x,
        W_enc.astype(jnp.bfloat16),
        b_enc.reshape(1, D_MODEL),
        gathered,
        W1.astype(jnp.bfloat16),
        b1.reshape(1, D_MODEL),
        W2.astype(jnp.bfloat16),
        b2.reshape(1, EMBED_DIM),
    )
    return out

# --- scband reference (transcript-rebuilt; emitter-appended) ---
"""Pipeline reference for scband-semantic-alignment-model-51539608184 (READ-ONLY COPY).

The authoritative reference and input builder live on the scoring server;
editing this copy changes nothing except your own understanding.
"""

import jax, jax.numpy as jnp
import numpy as np

D_MODEL = 384
PATCH_LEN = 96
MAX_PATCHES = 48
NUM_CH = 16
EMBED_DIM = 512
CHAN_VOCAB = 64
B = 16
T = PATCH_LEN * MAX_PATCHES


def setup_inputs(seed: int = 0) -> dict:
    key = jax.random.key(seed)
    ks = jax.random.split(key, 10)
    data = jax.random.normal(ks[0], (B, T, NUM_CH), dtype=jnp.float32)
    channel_ids = jax.random.randint(ks[1], (B, NUM_CH), 0, CHAN_VOCAB)
    channel_mask = jnp.ones((B, NUM_CH), dtype=bool)
    sampling_rates = jnp.ones((B,), dtype=jnp.float32)
    patch_sizes = jnp.ones((B,), dtype=jnp.float32)
    num_patches = jax.random.randint(ks[2], (B,), 1, MAX_PATCHES + 1)
    W_enc = jax.random.normal(ks[3], (PATCH_LEN, D_MODEL), dtype=jnp.float32) / np.sqrt(PATCH_LEN)
    b_enc = jnp.zeros((D_MODEL,), dtype=jnp.float32)
    chan_emb = jax.random.normal(ks[4], (CHAN_VOCAB, D_MODEL), dtype=jnp.float32) * 0.02
    W1 = jax.random.normal(ks[5], (D_MODEL, D_MODEL), dtype=jnp.float32) / np.sqrt(D_MODEL)
    b1 = jnp.zeros((D_MODEL,), dtype=jnp.float32)
    W2 = jax.random.normal(ks[6], (D_MODEL, EMBED_DIM), dtype=jnp.float32) / np.sqrt(D_MODEL)
    b2 = jnp.zeros((EMBED_DIM,), dtype=jnp.float32)
    return {"data": data, "channel_ids": channel_ids, "channel_mask": channel_mask,
            "sampling_rates": sampling_rates, "patch_sizes": patch_sizes,
            "num_patches": num_patches, "W_enc": W_enc, "b_enc": b_enc,
            "chan_emb": chan_emb, "W1": W1, "b1": b1, "W2": W2, "b2": b2}


def reference(data, channel_ids, channel_mask, sampling_rates, patch_sizes,
              num_patches, W_enc, b_enc, chan_emb, W1, b1, W2, b2):
    # preprocess (encoder.preprocess): chop each sample into fixed-length patches
    Bn, Tn, C = data.shape
    P = Tn // PATCH_LEN
    patches = data.reshape(Bn, P, PATCH_LEN, C)
    # ragged patch validity per sample, capped at MAX_PATCHES (torch loop equivalent)
    np_valid = jnp.minimum(num_patches, MAX_PATCHES)
    patch_mask = jnp.arange(P)[None, :] < np_valid[:, None]  # [B, P] bool
    # frozen encoder: per-channel temporal projection + channel-description embedding
    enc = jnp.einsum('bpkc,kd->bpcd', patches, W_enc) + b_enc  # [B, P, C, D]
    enc = enc + chan_emb[channel_ids][:, None, :, :]
    enc = jax.nn.gelu(enc)
    enc = jax.lax.stop_gradient(enc)  # FREEZE_ENCODER / torch.no_grad
    # zero-pad invalid (patch, channel) slots like the torch padding loops
    mask = (patch_mask[:, :, None] & channel_mask[:, None, :]).astype(enc.dtype)[..., None]
    enc = enc * mask
    # semantic head: masked mean pool over patches and channels, MLP, L2 normalize
    denom = jnp.maximum(mask.sum(axis=(1, 2)), 1.0)  # [B, 1]
    pooled = enc.sum(axis=(1, 2)) / denom  # [B, D]
    h = jax.nn.gelu(pooled @ W1 + b1)
    emb = h @ W2 + b2
    emb = emb / jnp.maximum(jnp.linalg.norm(emb, axis=-1, keepdims=True), 1e-6)
    return emb

if __name__ == "__main__":
    import jax
    _d = setup_inputs()
    print(jax.jit(kernel)(*tuple(_d.values())))

</pallas_src>

<mosaic_0001>
#map = affine_map<(d0, d1) -> (0, 0)>
#map1 = affine_map<(d0, d1) -> (0)>
module attributes {stable_mosaic.version = 14 : i64} {
  func.func @_sc_gather_kernel(%arg0: i32, %arg1: i32, %arg2: memref<64x384xf32, #tpu.memory_space<hbm>>, %arg3: memref<256xi32, #tpu.memory_space<hbm>>, %arg4: memref<256x384xf32, #tpu.memory_space<hbm>>, %arg5: memref<8xi32, #tpu.memory_space<vmem>>, %arg6: memref<8x384xf32, #tpu.memory_space<vmem>>, %arg7: memref<!tpu.dma_semaphore, #tpu.memory_space<semaphore_mem>>) attributes {dimension_semantics = [#tpu.dimension_semantics<core_parallel>, #tpu.dimension_semantics<subcore_parallel>], iteration_bounds = array<i64: 2, 16>, scalar_prefetch = 0 : i64, scratch_operands = 3 : i64, tpu.core_type = #tpu.core_type<sc_vector_subcore>, window_params = [{transform_indices = #map}, {transform_indices = #map1}, {transform_indices = #map}]} {
    %mul3A = arith.constant 2 : i32
    %mul3A_0 = arith.muli %arg1, %mul3A : i32
    %add3A = arith.addi %mul3A_0, %arg0 : i32
    %mul3A_1 = arith.constant 8 : i32
    %mul3A_2 = arith.muli %add3A, %mul3A_1 : i32
    "tpu.region"() ({
      %run_scoped3A = tpu.sem_alloc : memref<!tpu.dma_semaphore, #tpu.memory_space<semaphore_mem>>
      %dma_start3A_7 = tpu.memref_slice %arg3[%mul3A_2] : memref<256xi32, #tpu.memory_space<hbm>> -> memref<8xi32, #tpu.memory_space<hbm>>
      %dma_start3A_8 = tpu.memref_slice %arg3[%mul3A_2] : memref<256xi32, #tpu.memory_space<hbm>> -> memref<8xi32, #tpu.memory_space<hbm>>
      tpu.enqueue_dma source(%dma_start3A_8 : memref<8xi32, #tpu.memory_space<hbm>>) target(%arg5 : memref<8xi32, #tpu.memory_space<vmem>>) target_semaphore(%run_scoped3A : memref<!tpu.dma_semaphore, #tpu.memory_space<semaphore_mem>>)
      %dma_wait3A_9 = tpu.memref_slice %arg3[%mul3A_2] : memref<256xi32, #tpu.memory_space<hbm>> -> memref<8xi32, #tpu.memory_space<hbm>>
      %dma_wait3A_10 = tpu.memref_slice %arg3[%mul3A_2] : memref<256xi32, #tpu.memory_space<hbm>> -> memref<8xi32, #tpu.memory_space<hbm>>
      tpu.wait_dma2 semaphore(%run_scoped3A : memref<!tpu.dma_semaphore, #tpu.memory_space<semaphore_mem>>) src(%dma_wait3A_10 : memref<8xi32, #tpu.memory_space<hbm>>) dst(%arg5 : memref<8xi32, #tpu.memory_space<vmem>>)
      tpu.yield
    }) : () -> ()
    %dma_start3A = arith.constant 0 : i32
    %dma_start3A_3 = arith.constant 0 : i32
    %dma_start3A_4 = tpu.memref_slice %arg2[%dma_start3A, %dma_start3A_3] : memref<64x384xf32, #tpu.memory_space<hbm>> -> memref<64x384xf32, #tpu.memory_space<hbm>>
    tpu.enqueue_indirect_dma source(%dma_start3A_4 : memref<64x384xf32, #tpu.memory_space<hbm>>) target(%arg6 : memref<8x384xf32, #tpu.memory_space<vmem>>) offsets(%arg5 : memref<8xi32, #tpu.memory_space<vmem>>) semaphore(%arg7 : memref<!tpu.dma_semaphore, #tpu.memory_space<semaphore_mem>>)
    %dma_wait3A = arith.constant 0 : i32
    %dma_wait3A_5 = arith.constant 0 : i32
    %dma_wait3A_6 = tpu.memref_slice %arg2[%dma_wait3A, %dma_wait3A_5] : memref<64x384xf32, #tpu.memory_space<hbm>> -> memref<64x384xf32, #tpu.memory_space<hbm>>
    tpu.wait_indirect_dma semaphore(%arg7 : memref<!tpu.dma_semaphore, #tpu.memory_space<semaphore_mem>>) src(%dma_wait3A_6 : memref<64x384xf32, #tpu.memory_space<hbm>>) dst(%arg6 : memref<8x384xf32, #tpu.memory_space<vmem>>)
    "tpu.region"() ({
      %run_scoped3A = tpu.sem_alloc : memref<!tpu.dma_semaphore, #tpu.memory_space<semaphore_mem>>
      %dma_start3A_7 = arith.constant 0 : i32
      %dma_start3A_8 = tpu.memref_slice %arg4[%mul3A_2, %dma_start3A_7] : memref<256x384xf32, #tpu.memory_space<hbm>> -> memref<8x384xf32, #tpu.memory_space<hbm>>
      %dma_start3A_9 = arith.constant 0 : i32
      %dma_start3A_10 = tpu.memref_slice %arg4[%mul3A_2, %dma_start3A_9] : memref<256x384xf32, #tpu.memory_space<hbm>> -> memref<8x384xf32, #tpu.memory_space<hbm>>
      tpu.enqueue_dma source(%arg6 : memref<8x384xf32, #tpu.memory_space<vmem>>) target(%dma_start3A_10 : memref<8x384xf32, #tpu.memory_space<hbm>>) target_semaphore(%run_scoped3A : memref<!tpu.dma_semaphore, #tpu.memory_space<semaphore_mem>>)
      %dma_wait3A_11 = arith.constant 0 : i32
      %dma_wait3A_12 = tpu.memref_slice %arg4[%mul3A_2, %dma_wait3A_11] : memref<256x384xf32, #tpu.memory_space<hbm>> -> memref<8x384xf32, #tpu.memory_space<hbm>>
      %dma_wait3A_13 = arith.constant 0 : i32
      %dma_wait3A_14 = tpu.memref_slice %arg4[%mul3A_2, %dma_wait3A_13] : memref<256x384xf32, #tpu.memory_space<hbm>> -> memref<8x384xf32, #tpu.memory_space<hbm>>
      tpu.wait_dma2 semaphore(%run_scoped3A : memref<!tpu.dma_semaphore, #tpu.memory_space<semaphore_mem>>) src(%arg6 : memref<8x384xf32, #tpu.memory_space<vmem>>) dst(%dma_wait3A_14 : memref<8x384xf32, #tpu.memory_space<hbm>>)
      tpu.yield
    }) : () -> ()
    return
  }
}

module attributes {stable_mosaic.version = 14 : i64} {
  func.func @_fused_kernel(%arg0: i32, %arg1: memref<16xi32, #tpu.memory_space<smem>>, %arg2: memref<16x768x96xbf16, #tpu.memory_space<vmem>>, %arg3: memref<96x384xbf16, #tpu.memory_space<vmem>>, %arg4: memref<1x384xf32, #tpu.memory_space<vmem>>, %arg5: memref<256x384xf32, #tpu.memory_space<vmem>>, %arg6: memref<384x384xbf16, #tpu.memory_space<vmem>>, %arg7: memref<1x384xf32, #tpu.memory_space<vmem>>, %arg8: memref<384x512xbf16, #tpu.memory_space<vmem>>, %arg9: memref<1x512xf32, #tpu.memory_space<vmem>>, %arg10: memref<16x512xf32, #tpu.memory_space<vmem>>, %arg11: memref<16x384xf32, #tpu.memory_space<vmem>>) attributes {dimension_semantics = [#tpu.dimension_semantics<arbitrary>], iteration_bounds = array<i64: 1>, scalar_prefetch = 1 : i64, scratch_operands = 1 : i64, tpu.core_type = #tpu.core_type<tc>, window_params = [{pipeline_mode = #tpu.pipeline_mode<synchronous>, transform_indices = @transform_0, window_bounds = array<i64: 16, 768, 96>}, {pipeline_mode = #tpu.pipeline_mode<synchronous>, transform_indices = @transform_1, window_bounds = array<i64: 96, 384>}, {pipeline_mode = #tpu.pipeline_mode<synchronous>, transform_indices = @transform_2, window_bounds = array<i64: 1, 384>}, {pipeline_mode = #tpu.pipeline_mode<synchronous>, transform_indices = @transform_3, window_bounds = array<i64: 256, 384>}, {pipeline_mode = #tpu.pipeline_mode<synchronous>, transform_indices = @transform_4, window_bounds = array<i64: 384, 384>}, {pipeline_mode = #tpu.pipeline_mode<synchronous>, transform_indices = @transform_5, window_bounds = array<i64: 1, 384>}, {pipeline_mode = #tpu.pipeline_mode<synchronous>, transform_indices = @transform_6, window_bounds = array<i64: 384, 512>}, {pipeline_mode = #tpu.pipeline_mode<synchronous>, transform_indices = @transform_7, window_bounds = array<i64: 1, 512>}, {pipeline_mode = #tpu.pipeline_mode<synchronous>, transform_indices = @transform_8, window_bounds = array<i64: 16, 512>}]} {
    %iota3A = tpu.iota {dimensions = array<i32: 1>} : vector<1x128xi32>
    %get3A = arith.constant 0 : index
    %get3A_0 = arith.constant 0 : index
    %get3A_1 = vector.load %arg3[%get3A, %get3A_0] : memref<96x384xbf16, #tpu.memory_space<vmem>>, vector<96x384xbf16>
    %get3A_2 = arith.constant 0 : index
    %get3A_3 = arith.constant 0 : index
    %get3A_4 = vector.load %arg4[%get3A_2, %get3A_3] : memref<1x384xf32, #tpu.memory_space<vmem>>, vector<1x384xf32>
    %get3A_5 = arith.constant 0 : index
    %get3A_6 = arith.constant 0 : index
    %get3A_7 = vector.load %arg5[%get3A_5, %get3A_6] : memref<256x384xf32, #tpu.memory_space<vmem>>, vector<16x384xf32>
    %add3A = vector.broadcast %get3A_4 : vector<1x384xf32> to vector<16x384xf32>
    %add3A_8 = arith.addf %get3A_7, %add3A : vector<16x384xf32>
    %concatenate3A = tpu.concatenate %add3A_8, %add3A_8, %add3A_8, %add3A_8, %add3A_8, %add3A_8, %add3A_8, %add3A_8 in 0 : vector<16x384xf32>, vector<16x384xf32>, vector<16x384xf32>, vector<16x384xf32>, vector<16x384xf32>, vector<16x384xf32>, vector<16x384xf32>, vector<16x384xf32> -> vector<128x384xf32>
    %get3A_9 = arith.constant 0 : index
    %get3A_10 = memref.load %arg1[%get3A_9] : memref<16xi32, #tpu.memory_space<smem>>
    %add3A_11 = arith.constant 8 : i32
    %add3A_12 = arith.addi %get3A_10, %add3A_11 : i32
    %sub3A = arith.constant 1 : i32
    %sub3A_13 = arith.subi %add3A_12, %sub3A : i32
    %jit3A = arith.constant 8 : i32
    %div3A = arith.divsi %sub3A_13, %jit3A : i32
    %sign3A = arith.constant 0 : i32
    %sign3A_14 = arith.cmpi sgt, %sub3A_13, %sign3A : i32
    %sign3A_15 = arith.extui %sign3A_14 : i1 to i32
    %sign3A_16 = arith.constant 0 : i32
    %sign3A_17 = arith.cmpi slt, %sub3A_13, %sign3A_16 : i32
    %sign3A_18 = arith.extui %sign3A_17 : i1 to i32
    %sign3A_19 = arith.subi %sign3A_15, %sign3A_18 : i32
    %sign3A_20 = arith.constant 0 : i32
    %sign3A_21 = arith.cmpi sgt, %jit3A, %sign3A_20 : i32
    %sign3A_22 = arith.extui %sign3A_21 : i1 to i32
    %sign3A_23 = arith.constant 0 : i32
    %sign3A_24 = arith.cmpi slt, %jit3A, %sign3A_23 : i32
    %sign3A_25 = arith.extui %sign3A_24 : i1 to i32
    %sign3A_26 = arith.subi %sign3A_22, %sign3A_25 : i32
    %ne3A = arith.cmpi ne, %sign3A_19, %sign3A_26 : i32
    %rem3A = arith.remsi %sub3A_13, %jit3A : i32
    %ne3A_27 = arith.constant 0 : i32
    %ne3A_28 = arith.cmpi ne, %rem3A, %ne3A_27 : i32
    %and3A = arith.andi %ne3A, %ne3A_28 : i1
    %sub3A_29 = arith.constant 1 : i32
    %sub3A_30 = arith.subi %div3A, %sub3A_29 : i32
    %select_n3A = arith.select %and3A, %sub3A_30, %div3A : i32
    %broadcast_in_dim3A = arith.constant 0.000000e+00 : f32
    %broadcast_in_dim3A_31 = vector.broadcast %broadcast_in_dim3A : f32 to vector<1x384xf32>
    %while3A = arith.constant 0 : i32
    %while3A_32 = arith.subi %select_n3A, %while3A : i32
    %while3A_33 = arith.addi %while3A, %while3A_32 : i32
    %while3A_34 = arith.constant 1 : i32
    %while3A_35 = arith.divsi %while3A_32, %while3A_34 : i32
    %while3A_36 = arith.muli %while3A_35, %while3A_34 : i32
    %while3A_37 = arith.addi %while3A, %while3A_36 : i32
    %while3A_38 = arith.constant 1 : i32
    %while3A_39 = scf.for %while3A_983 = %while3A to %while3A_37 step %while3A_38 iter_args(%while3A_984 = %broadcast_in_dim3A_31) -> (vector<1x384xf32>)  : i32 {
      %mul3A_985 = arith.constant 128 : i32
      %mul3A_986 = arith.muli %while3A_983, %mul3A_985 : i32
      %get3A_987 = arith.constant 0 : index
      %get3A_988 = arith.index_cast %mul3A_986 : i32 to index
      %get3A_989 = arith.constant 0 : index
      %get3A_990 = vector.load %arg2[%get3A_987, %get3A_988, %get3A_989] : memref<16x768x96xbf16, #tpu.memory_space<vmem>>, vector<1x128x96xbf16>
      %get3A_991 = vector.shape_cast %get3A_990 : vector<1x128x96xbf16> to vector<128x96xbf16>
      %dot_general3A_992 = arith.constant dense<0.000000e+00> : vector<128x384xf32>
      %dot_general3A_993 = tpu.matmul %get3A_991, %get3A_1, %dot_general3A_992 {dimension_numbers = #tpu.dot_dimension_numbers<[1], [0], [0], [1], [0, 0, 1, 1], [], []>, transpose_lhs_hint = false} : vector<128x96xbf16>, vector<96x384xbf16>, vector<128x384xf32> -> vector<128x384xf32>
      %add3A_994 = arith.addf %dot_general3A_993, %concatenate3A : vector<128x384xf32>
      %integer_pow3A_995 = arith.mulf %add3A_994, %add3A_994 : vector<128x384xf32>
      %integer_pow3A_996 = arith.mulf %add3A_994, %integer_pow3A_995 : vector<128x384xf32>
      %mul3A_997 = arith.constant 4.471500e-02 : f32
      %mul3A_998 = vector.broadcast %mul3A_997 : f32 to vector<128x384xf32>
      %mul3A_999 = arith.mulf %mul3A_998, %integer_pow3A_996 : vector<128x384xf32>
      %add3A_1000 = arith.addf %add3A_994, %mul3A_999 : vector<128x384xf32>
      %mul3A_1001 = arith.constant 0.797884583 : f32
      %mul3A_1002 = vector.broadcast %mul3A_1001 : f32 to vector<128x384xf32>
      %mul3A_1003 = arith.mulf %mul3A_1002, %add3A_1000 : vector<128x384xf32>
      %tanh3A_1004 = math.tanh %mul3A_1003 : vector<128x384xf32>
      %add3A_1005 = arith.constant 1.000000e+00 : f32
      %add3A_1006 = vector.broadcast %add3A_1005 : f32 to vector<128x384xf32>
      %add3A_1007 = arith.addf %add3A_1006, %tanh3A_1004 : vector<128x384xf32>
      %mul3A_1008 = arith.constant 5.000000e-01 : f32
      %mul3A_1009 = vector.broadcast %mul3A_1008 : f32 to vector<128x384xf32>
      %mul3A_1010 = arith.mulf %mul3A_1009, %add3A_1007 : vector<128x384xf32>
      %mul3A_1011 = arith.mulf %add3A_994, %mul3A_1010 : vector<128x384xf32>
      %mul3A_1012 = arith.constant 8 : i32
      %mul3A_1013 = arith.muli %while3A_983, %mul3A_1012 : i32
      %sub3A_1014 = arith.subi %get3A_10, %mul3A_1013 : i32
      %mul3A_1015 = arith.constant 16 : i32
      %mul3A_1016 = arith.muli %sub3A_1014, %mul3A_1015 : i32
      %lt3A = vector.broadcast %mul3A_1016 : i32 to vector<1x128xi32>
      %lt3A_1017 = arith.cmpi slt, %iota3A, %lt3A : vector<1x128xi32>
      %convert_element_type3A_1018 = arith.extui %lt3A_1017 : vector<1x128xi1> to vector<1x128xi32>
      %convert_element_type3A_1019 = arith.sitofp %convert_element_type3A_1018 : vector<1x128xi32> to vector<1x128xf32>
      %convert_element_type3A_1020 = arith.truncf %convert_element_type3A_1019 : vector<1x128xf32> to vector<1x128xbf16>
      %convert_element_type3A_1021 = arith.truncf %mul3A_1011 : vector<128x384xf32> to vector<128x384xbf16>
      %dot_general3A_1022 = arith.constant dense<0.000000e+00> : vector<1x384xf32>
      %dot_general3A_1023 = tpu.matmul %convert_element_type3A_1020, %convert_element_type3A_1021, %dot_general3A_1022 {dimension_numbers = #tpu.dot_dimension_numbers<[1], [0], [0], [1], [0, 0, 1, 1], [], []>, transpose_lhs_hint = false} : vector<1x128xbf16>, vector<128x384xbf16>, vector<1x384xf32> -> vector<1x384xf32>
      %add3A_1024 = arith.addf %while3A_984, %dot_general3A_1023 : vector<1x384xf32>
      scf.yield %add3A_1024 : vector<1x384xf32>
    }
    %while3A_40 = arith.constant 1 : i32
    %while3A_41 = scf.for %while3A_983 = %while3A_37 to %while3A_33 step %while3A_40 iter_args(%while3A_984 = %while3A_39) -> (vector<1x384xf32>)  : i32 {
      %mul3A_985 = arith.constant 128 : i32
      %mul3A_986 = arith.muli %while3A_983, %mul3A_985 : i32
      %get3A_987 = arith.constant 0 : index
      %get3A_988 = arith.index_cast %mul3A_986 : i32 to index
      %get3A_989 = arith.constant 0 : index
      %get3A_990 = vector.load %arg2[%get3A_987, %get3A_988, %get3A_989] : memref<16x768x96xbf16, #tpu.memory_space<vmem>>, vector<1x128x96xbf16>
      %get3A_991 = vector.shape_cast %get3A_990 : vector<1x128x96xbf16> to vector<128x96xbf16>
      %dot_general3A_992 = arith.constant dense<0.000000e+00> : vector<128x384xf32>
      %dot_general3A_993 = tpu.matmul %get3A_991, %get3A_1, %dot_general3A_992 {dimension_numbers = #tpu.dot_dimension_numbers<[1], [0], [0], [1], [0, 0, 1, 1], [], []>, transpose_lhs_hint = false} : vector<128x96xbf16>, vector<96x384xbf16>, vector<128x384xf32> -> vector<128x384xf32>
      %add3A_994 = arith.addf %dot_general3A_993, %concatenate3A : vector<128x384xf32>
      %integer_pow3A_995 = arith.mulf %add3A_994, %add3A_994 : vector<128x384xf32>
      %integer_pow3A_996 = arith.mulf %add3A_994, %integer_pow3A_995 : vector<128x384xf32>
      %mul3A_997 = arith.constant 4.471500e-02 : f32
      %mul3A_998 = vector.broadcast %mul3A_997 : f32 to vector<128x384xf32>
      %mul3A_999 = arith.mulf %mul3A_998, %integer_pow3A_996 : vector<128x384xf32>
      %add3A_1000 = arith.addf %add3A_994, %mul3A_999 : vector<128x384xf32>
      %mul3A_1001 = arith.constant 0.797884583 : f32
      %mul3A_1002 = vector.broadcast %mul3A_1001 : f32 to vector<128x384xf32>
      %mul3A_1003 = arith.mulf %mul3A_1002, %add3A_1000 : vector<128x384xf32>
      %tanh3A_1004 = math.tanh %mul3A_1003 : vector<128x384xf32>
      %add3A_1005 = arith.constant 1.000000e+00 : f32
      %add3A_1006 = vector.broadcast %add3A_1005 : f32 to vector<128x384xf32>
      %add3A_1007 = arith.addf %add3A_1006, %tanh3A_1004 : vector<128x384xf32>
      %mul3A_1008 = arith.constant 5.000000e-01 : f32
      %mul3A_1009 = vector.broadcast %mul3A_1008 : f32 to vector<128x384xf32>
      %mul3A_1010 = arith.mulf %mul3A_1009, %add3A_1007 : vector<128x384xf32>
      %mul3A_1011 = arith.mulf %add3A_994, %mul3A_1010 : vector<128x384xf32>
      %mul3A_1012 = arith.constant 8 : i32
      %mul3A_1013 = arith.muli %while3A_983, %mul3A_1012 : i32
      %sub3A_1014 = arith.subi %get3A_10, %mul3A_1013 : i32
      %mul3A_1015 = arith.constant 16 : i32
      %mul3A_1016 = arith.muli %sub3A_1014, %mul3A_1015 : i32
      %lt3A = vector.broadcast %mul3A_1016 : i32 to vector<1x128xi32>
      %lt3A_1017 = arith.cmpi slt, %iota3A, %lt3A : vector<1x128xi32>
      %convert_element_type3A_1018 = arith.extui %lt3A_1017 : vector<1x128xi1> to vector<1x128xi32>
      %convert_element_type3A_1019 = arith.sitofp %convert_element_type3A_1018 : vector<1x128xi32> to vector<1x128xf32>
      %convert_element_type3A_1020 = arith.truncf %convert_element_type3A_1019 : vector<1x128xf32> to vector<1x128xbf16>
      %convert_element_type3A_1021 = arith.truncf %mul3A_1011 : vector<128x384xf32> to vector<128x384xbf16>
      %dot_general3A_1022 = arith.constant dense<0.000000e+00> : vector<1x384xf32>
      %dot_general3A_1023 = tpu.matmul %convert_element_type3A_1020, %convert_element_type3A_1021, %dot_general3A_1022 {dimension_numbers = #tpu.dot_dimension_numbers<[1], [0], [0], [1], [0, 0, 1, 1], [], []>, transpose_lhs_hint = false} : vector<1x128xbf16>, vector<128x384xbf16>, vector<1x384xf32> -> vector<1x384xf32>
      %add3A_1024 = arith.addf %while3A_984, %dot_general3A_1023 : vector<1x384xf32>
      scf.yield %add3A_1024 : vector<1x384xf32>
    }
    %mul3A = arith.constant 16 : i32
    %mul3A_42 = arith.muli %get3A_10, %mul3A : i32
    %max3A = arith.constant 1 : i32
    %max3A_43 = arith.maxsi %mul3A_42, %max3A : i32
    %convert_element_type3A = arith.sitofp %max3A_43 : i32 to f32
    %div3A_44 = vector.broadcast %convert_element_type3A : f32 to vector<1x384xf32>
    %div3A_45 = arith.divf %while3A_41, %div3A_44 : vector<1x384xf32>
    %swap3A = arith.constant 0 : index
    %swap3A_46 = arith.constant 0 : index
    %swap3A_47 = vector.load %arg11[%swap3A, %swap3A_46] : memref<16x384xf32, #tpu.memory_space<vmem>>, vector<1x384xf32>
    tpu.vector_store %arg11[%swap3A, %swap3A_46], %div3A_45 {strides = array<i32>} : memref<16x384xf32, #tpu.memory_space<vmem>>, vector<1x384xf32>,
    %get3A_48 = arith.constant 16 : index
    %get3A_49 = arith.constant 0 : index
    %get3A_50 = vector.load %arg5[%get3A_48, %get3A_49] : memref<256x384xf32, #tpu.memory_space<vmem>>, vector<16x384xf32>
    %add3A_51 = vector.broadcast %get3A_4 : vector<1x384xf32> to vector<16x384xf32>
    %add3A_52 = arith.addf %get3A_50, %add3A_51 : vector<16x384xf32>
    %concatenate3A_53 = tpu.concatenate %add3A_52, %add3A_52, %add3A_52, %add3A_52, %add3A_52, %add3A_52, %add3A_52, %add3A_52 in 0 : vector<16x384xf32>, vector<16x384xf32>, vector<16x384xf32>, vector<16x384xf32>, vector<16x384xf32>, vector<16x384xf32>, vector<16x384xf32>, vector<16x384xf32> -> vector<128x384xf32>
    %get3A_54 = arith.constant 1 : index
    %get3A_55 = memref.load %arg1[%get3A_54] : memref<16xi32, #tpu.memory_space<smem>>
    %add3A_56 = arith.constant 8 : i32
    %add3A_57 = arith.addi %get3A_55, %add3A_56 : i32
    %sub3A_58 = arith.constant 1 : i32
    %sub3A_59 = arith.subi %add3A_57, %sub3A_58 : i32
    %jit3A_60 = arith.constant 8 : i32
    %div3A_61 = arith.divsi %sub3A_59, %jit3A_60 : i32
    %sign3A_62 = arith.constant 0 : i32
    %sign3A_63 = arith.cmpi sgt, %sub3A_59, %sign3A_62 : i32
    %sign3A_64 = arith.extui %sign3A_63 : i1 to i32
    %sign3A_65 = arith.constant 0 : i32
    %sign3A_66 = arith.cmpi slt, %sub3A_59, %sign3A_65 : i32
    %sign3A_67 = arith.extui %sign3A_66 : i1 to i32
    %sign3A_68 = arith.subi %sign3A_64, %sign3A_67 : i32
    %sign3A_69 = arith.constant 0 : i32
    %sign3A_70 = arith.cmpi sgt, %jit3A_60, %sign3A_69 : i32
    %sign3A_71 = arith.extui %sign3A_70 : i1 to i32
    %sign3A_72 = arith.constant 0 : i32
    %sign3A_73 = arith.cmpi slt, %jit3A_60, %sign3A_72 : i32
    %sign3A_74 = arith.extui %sign3A_73 : i1 to i32
    %sign3A_75 = arith.subi %sign3A_71, %sign3A_74 : i32
    %ne3A_76 = arith.cmpi ne, %sign3A_68, %sign3A_75 : i32
    %rem3A_77 = arith.remsi %sub3A_59, %jit3A_60 : i32
    %ne3A_78 = arith.constant 0 : i32
    %ne3A_79 = arith.cmpi ne, %rem3A_77, %ne3A_78 : i32
    %and3A_80 = arith.andi %ne3A_76, %ne3A_79 : i1
    %sub3A_81 = arith.constant 1 : i32
    %sub3A_82 = arith.subi %div3A_61, %sub3A_81 : i32
    %select_n3A_83 = arith.select %and3A_80, %sub3A_82, %div3A_61 : i32
    %broadcast_in_dim3A_84 = arith.constant 0.000000e+00 : f32
    %broadcast_in_dim3A_85 = vector.broadcast %broadcast_in_dim3A_84 : f32 to vector<1x384xf32>
    %while3A_86 = arith.constant 0 : i32
    %while3A_87 = arith.subi %select_n3A_83, %while3A_86 : i32
    %while3A_88 = arith.addi %while3A_86, %while3A_87 : i32
    %while3A_89 = arith.constant 1 : i32
    %while3A_90 = arith.divsi %while3A_87, %while3A_89 : i32
    %while3A_91 = arith.muli %while3A_90, %while3A_89 : i32
    %while3A_92 = arith.addi %while3A_86, %while3A_91 : i32
    %while3A_93 = arith.constant 1 : i32
    %while3A_94 = scf.for %while3A_983 = %while3A_86 to %while3A_92 step %while3A_93 iter_args(%while3A_984 = %broadcast_in_dim3A_85) -> (vector<1x384xf32>)  : i32 {
      %mul3A_985 = arith.constant 128 : i32
      %mul3A_986 = arith.muli %while3A_983, %mul3A_985 : i32
      %get3A_987 = arith.constant 1 : index
      %get3A_988 = arith.index_cast %mul3A_986 : i32 to index
      %get3A_989 = arith.constant 0 : index
      %get3A_990 = vector.load %arg2[%get3A_987, %get3A_988, %get3A_989] : memref<16x768x96xbf16, #tpu.memory_space<vmem>>, vector<1x128x96xbf16>
      %get3A_991 = vector.shape_cast %get3A_990 : vector<1x128x96xbf16> to vector<128x96xbf16>
      %dot_general3A_992 = arith.constant dense<0.000000e+00> : vector<128x384xf32>
      %dot_general3A_993 = tpu.matmul %get3A_991, %get3A_1, %dot_general3A_992 {dimension_numbers = #tpu.dot_dimension_numbers<[1], [0], [0], [1], [0, 0, 1, 1], [], []>, transpose_lhs_hint = false} : vector<128x96xbf16>, vector<96x384xbf16>, vector<128x384xf32> -> vector<128x384xf32>
      %add3A_994 = arith.addf %dot_general3A_993, %concatenate3A_53 : vector<128x384xf32>
      %integer_pow3A_995 = arith.mulf %add3A_994, %add3A_994 : vector<128x384xf32>
      %integer_pow3A_996 = arith.mulf %add3A_994, %integer_pow3A_995 : vector<128x384xf32>
      %mul3A_997 = arith.constant 4.471500e-02 : f32
      %mul3A_998 = vector.broadcast %mul3A_997 : f32 to vector<128x384xf32>
      %mul3A_999 = arith.mulf %mul3A_998, %integer_pow3A_996 : vector<128x384xf32>
      %add3A_1000 = arith.addf %add3A_994, %mul3A_999 : vector<128x384xf32>
      %mul3A_1001 = arith.constant 0.797884583 : f32
      %mul3A_1002 = vector.broadcast %mul3A_1001 : f32 to vector<128x384xf32>
      %mul3A_1003 = arith.mulf %mul3A_1002, %add3A_1000 : vector<128x384xf32>
      %tanh3A_1004 = math.tanh %mul3A_1003 : vector<128x384xf32>
      %add3A_1005 = arith.constant 1.000000e+00 : f32
      %add3A_1006 = vector.broadcast %add3A_1005 : f32 to vector<128x384xf32>
      %add3A_1007 = arith.addf %add3A_1006, %tanh3A_1004 : vector<128x384xf32>
      %mul3A_1008 = arith.constant 5.000000e-01 : f32
      %mul3A_1009 = vector.broadcast %mul3A_1008 : f32 to vector<128x384xf32>
      %mul3A_1010 = arith.mulf %mul3A_1009, %add3A_1007 : vector<128x384xf32>
      %mul3A_1011 = arith.mulf %add3A_994, %mul3A_1010 : vector<128x384xf32>
      %mul3A_1012 = arith.constant 8 : i32
      %mul3A_1013 = arith.muli %while3A_983, %mul3A_1012 : i32
      %sub3A_1014 = arith.subi %get3A_55, %mul3A_1013 : i32
      %mul3A_1015 = arith.constant 16 : i32
      %mul3A_1016 = arith.muli %sub3A_1014, %mul3A_1015 : i32
      %lt3A = vector.broadcast %mul3A_1016 : i32 to vector<1x128xi32>
      %lt3A_1017 = arith.cmpi slt, %iota3A, %lt3A : vector<1x128xi32>
      %convert_element_type3A_1018 = arith.extui %lt3A_1017 : vector<1x128xi1> to vector<1x128xi32>
      %convert_element_type3A_1019 = arith.sitofp %convert_element_type3A_1018 : vector<1x128xi32> to vector<1x128xf32>
      %convert_element_type3A_1020 = arith.truncf %convert_element_type3A_1019 : vector<1x128xf32> to vector<1x128xbf16>
      %convert_element_type3A_1021 = arith.truncf %mul3A_1011 : vector<128x384xf32> to vector<128x384xbf16>
      %dot_general3A_1022 = arith.constant dense<0.000000e+00> : vector<1x384xf32>
      %dot_general3A_1023 = tpu.matmul %convert_element_type3A_1020, %convert_element_type3A_1021, %dot_general3A_1022 {dimension_numbers = #tpu.dot_dimension_numbers<[1], [0], [0], [1], [0, 0, 1, 1], [], []>, transpose_lhs_hint = false} : vector<1x128xbf16>, vector<128x384xbf16>, vector<1x384xf32> -> vector<1x384xf32>
      %add3A_1024 = arith.addf %while3A_984, %dot_general3A_1023 : vector<1x384xf32>
      scf.yield %add3A_1024 : vector<1x384xf32>
    }
    %while3A_95 = arith.constant 1 : i32
    %while3A_96 = scf.for %while3A_983 = %while3A_92 to %while3A_88 step %while3A_95 iter_args(%while3A_984 = %while3A_94) -> (vector<1x384xf32>)  : i32 {
      %mul3A_985 = arith.constant 128 : i32
      %mul3A_986 = arith.muli %while3A_983, %mul3A_985 : i32
      %get3A_987 = arith.constant 1 : index
      %get3A_988 = arith.index_cast %mul3A_986 : i32 to index
      %get3A_989 = arith.constant 0 : index
      %get3A_990 = vector.load %arg2[%get3A_987, %get3A_988, %get3A_989] : memref<16x768x96xbf16, #tpu.memory_space<vmem>>, vector<1x128x96xbf16>
      %get3A_991 = vector.shape_cast %get3A_990 : vector<1x128x96xbf16> to vector<128x96xbf16>
      %dot_general3A_992 = arith.constant dense<0.000000e+00> : vector<128x384xf32>
      %dot_general3A_993 = tpu.matmul %get3A_991, %get3A_1, %dot_general3A_992 {dimension_numbers = #tpu.dot_dimension_numbers<[1], [0], [0], [1], [0, 0, 1, 1], [], []>, transpose_lhs_hint = false} : vector<128x96xbf16>, vector<96x384xbf16>, vector<128x384xf32> -> vector<128x384xf32>
      %add3A_994 = arith.addf %dot_general3A_993, %concatenate3A_53 : vector<128x384xf32>
      %integer_pow3A_995 = arith.mulf %add3A_994, %add3A_994 : vector<128x384xf32>
      %integer_pow3A_996 = arith.mulf %add3A_994, %integer_pow3A_995 : vector<128x384xf32>
      %mul3A_997 = arith.constant 4.471500e-02 : f32
      %mul3A_998 = vector.broadcast %mul3A_997 : f32 to vector<128x384xf32>
      %mul3A_999 = arith.mulf %mul3A_998, %integer_pow3A_996 : vector<128x384xf32>
      %add3A_1000 = arith.addf %add3A_994, %mul3A_999 : vector<128x384xf32>
      %mul3A_1001 = arith.constant 0.797884583 : f32
      %mul3A_1002 = vector.broadcast %mul3A_1001 : f32 to vector<128x384xf32>
      %mul3A_1003 = arith.mulf %mul3A_1002, %add3A_1000 : vector<128x384xf32>
      %tanh3A_1004 = math.tanh %mul3A_1003 : vector<128x384xf32>
      %add3A_1005 = arith.constant 1.000000e+00 : f32
      %add3A_1006 = vector.broadcast %add3A_1005 : f32 to vector<128x384xf32>
      %add3A_1007 = arith.addf %add3A_1006, %tanh3A_1004 : vector<128x384xf32>
      %mul3A_1008 = arith.constant 5.000000e-01 : f32
      %mul3A_1009 = vector.broadcast %mul3A_1008 : f32 to vector<128x384xf32>
      %mul3A_1010 = arith.mulf %mul3A_1009, %add3A_1007 : vector<128x384xf32>
      %mul3A_1011 = arith.mulf %add3A_994, %mul3A_1010 : vector<128x384xf32>
      %mul3A_1012 = arith.constant 8 : i32
      %mul3A_1013 = arith.muli %while3A_983, %mul3A_1012 : i32
      %sub3A_1014 = arith.subi %get3A_55, %mul3A_1013 : i32
      %mul3A_1015 = arith.constant 16 : i32
      %mul3A_1016 = arith.muli %sub3A_1014, %mul3A_1015 : i32
      %lt3A = vector.broadcast %mul3A_1016 : i32 to vector<1x128xi32>
      %lt3A_1017 = arith.cmpi slt, %iota3A, %lt3A : vector<1x128xi32>
      %convert_element_type3A_1018 = arith.extui %lt3A_1017 : vector<1x128xi1> to vector<1x128xi32>
      %convert_element_type3A_1019 = arith.sitofp %convert_element_type3A_1018 : vector<1x128xi32> to vector<1x128xf32>
      %convert_element_type3A_1020 = arith.truncf %convert_element_type3A_1019 : vector<1x128xf32> to vector<1x128xbf16>
      %convert_element_type3A_1021 = arith.truncf %mul3A_1011 : vector<128x384xf32> to vector<128x384xbf16>
      %dot_general3A_1022 = arith.constant dense<0.000000e+00> : vector<1x384xf32>
      %dot_general3A_1023 = tpu.matmul %convert_element_type3A_1020, %convert_element_type3A_1021, %dot_general3A_1022 {dimension_numbers = #tpu.dot_dimension_numbers<[1], [0], [0], [1], [0, 0, 1, 1], [], []>, transpose_lhs_hint = false} : vector<1x128xbf16>, vector<128x384xbf16>, vector<1x384xf32> -> vector<1x384xf32>
      %add3A_1024 = arith.addf %while3A_984, %dot_general3A_1023 : vector<1x384xf32>
      scf.yield %add3A_1024 : vector<1x384xf32>
    }
    %mul3A_97 = arith.constant 16 : i32
    %mul3A_98 = arith.muli %get3A_55, %mul3A_97 : i32
    %max3A_99 = arith.constant 1 : i32
    %max3A_100 = arith.maxsi %mul3A_98, %max3A_99 : i32
    %convert_element_type3A_101 = arith.sitofp %max3A_100 : i32 to f32
    %div3A_102 = vector.broadcast %convert_element_type3A_101 : f32 to vector<1x384xf32>
    %div3A_103 = arith.divf %while3A_96, %div3A_102 : vector<1x384xf32>
    %swap3A_104 = arith.constant 1 : index
    %swap3A_105 = arith.constant 0 : index
    %swap3A_106 = vector.load %arg11[%swap3A_104, %swap3A_105] : memref<16x384xf32, #tpu.memory_space<vmem>>, vector<1x384xf32>
    tpu.vector_store %arg11[%swap3A_104, %swap3A_105], %div3A_103 {strides = array<i32>} : memref<16x384xf32, #tpu.memory_space<vmem>>, vector<1x384xf32>,
    %get3A_107 = arith.constant 32 : index
    %get3A_108 = arith.constant 0 : index
    %get3A_109 = vector.load %arg5[%get3A_107, %get3A_108] : memref<256x384xf32, #tpu.memory_space<vmem>>, vector<16x384xf32>
    %add3A_110 = vector.broadcast %get3A_4 : vector<1x384xf32> to vector<16x384xf32>
    %add3A_111 = arith.addf %get3A_109, %add3A_110 : vector<16x384xf32>
    %concatenate3A_112 = tpu.concatenate %add3A_111, %add3A_111, %add3A_111, %add3A_111, %add3A_111, %add3A_111, %add3A_111, %add3A_111 in 0 : vector<16x384xf32>, vector<16x384xf32>, vector<16x384xf32>, vector<16x384xf32>, vector<16x384xf32>, vector<16x384xf32>, vector<16x384xf32>, vector<16x384xf32> -> vector<128x384xf32>
    %get3A_113 = arith.constant 2 : index
    %get3A_114 = memref.load %arg1[%get3A_113] : memref<16xi32, #tpu.memory_space<smem>>
    %add3A_115 = arith.constant 8 : i32
    %add3A_116 = arith.addi %get3A_114, %add3A_115 : i32
    %sub3A_117 = arith.constant 1 : i32
    %sub3A_118 = arith.subi %add3A_116, %sub3A_117 : i32
    %jit3A_119 = arith.constant 8 : i32
    %div3A_120 = arith.divsi %sub3A_118, %jit3A_119 : i32
    %sign3A_121 = arith.constant 0 : i32
    %sign3A_122 = arith.cmpi sgt, %sub3A_118, %sign3A_121 : i32
    %sign3A_123 = arith.extui %sign3A_122 : i1 to i32
    %sign3A_124 = arith.constant 0 : i32
    %sign3A_125 = arith.cmpi slt, %sub3A_118, %sign3A_124 : i32
    %sign3A_126 = arith.extui %sign3A_125 : i1 to i32
    %sign3A_127 = arith.subi %sign3A_123, %sign3A_126 : i32
    %sign3A_128 = arith.constant 0 : i32
    %sign3A_129 = arith.cmpi sgt, %jit3A_119, %sign3A_128 : i32
    %sign3A_130 = arith.extui %sign3A_129 : i1 to i32
    %sign3A_131 = arith.constant 0 : i32
    %sign3A_132 = arith.cmpi slt, %jit3A_119, %sign3A_131 : i32
    %sign3A_133 = arith.extui %sign3A_132 : i1 to i32
    %sign3A_134 = arith.subi %sign3A_130, %sign3A_133 : i32
    %ne3A_135 = arith.cmpi ne, %sign3A_127, %sign3A_134 : i32
    %rem3A_136 = arith.remsi %sub3A_118, %jit3A_119 : i32
    %ne3A_137 = arith.constant 0 : i32
    %ne3A_138 = arith.cmpi ne, %rem3A_136, %ne3A_137 : i32
    %and3A_139 = arith.andi %ne3A_135, %ne3A_138 : i1
    %sub3A_140 = arith.constant 1 : i32
    %sub3A_141 = arith.subi %div3A_120, %sub3A_140 : i32
    %select_n3A_142 = arith.select %and3A_139, %sub3A_141, %div3A_120 : i32
    %broadcast_in_dim3A_143 = arith.constant 0.000000e+00 : f32
    %broadcast_in_dim3A_144 = vector.broadcast %broadcast_in_dim3A_143 : f32 to vector<1x384xf32>
    %while3A_145 = arith.constant 0 : i32
    %while3A_146 = arith.subi %select_n3A_142, %while3A_145 : i32
    %while3A_147 = arith.addi %while3A_145, %while3A_146 : i32
    %while3A_148 = arith.constant 1 : i32
    %while3A_149 = arith.divsi %while3A_146, %while3A_148 : i32
    %while3A_150 = arith.muli %while3A_149, %while3A_148 : i32
    %while3A_151 = arith.addi %while3A_145, %while3A_150 : i32
    %while3A_152 = arith.constant 1 : i32
    %while3A_153 = scf.for %while3A_983 = %while3A_145 to %while3A_151 step %while3A_152 iter_args(%while3A_984 = %broadcast_in_dim3A_144) -> (vector<1x384xf32>)  : i32 {
      %mul3A_985 = arith.constant 128 : i32
      %mul3A_986 = arith.muli %while3A_983, %mul3A_985 : i32
      %get3A_987 = arith.constant 2 : index
      %get3A_988 = arith.index_cast %mul3A_986 : i32 to index
      %get3A_989 = arith.constant 0 : index
      %get3A_990 = vector.load %arg2[%get3A_987, %get3A_988, %get3A_989] : memref<16x768x96xbf16, #tpu.memory_space<vmem>>, vector<1x128x96xbf16>
      %get3A_991 = vector.shape_cast %get3A_990 : vector<1x128x96xbf16> to vector<128x96xbf16>
      %dot_general3A_992 = arith.constant dense<0.000000e+00> : vector<128x384xf32>
      %dot_general3A_993 = tpu.matmul %get3A_991, %get3A_1, %dot_general3A_992 {dimension_numbers = #tpu.dot_dimension_numbers<[1], [0], [0], [1], [0, 0, 1, 1], [], []>, transpose_lhs_hint = false} : vector<128x96xbf16>, vector<96x384xbf16>, vector<128x384xf32> -> vector<128x384xf32>
      %add3A_994 = arith.addf %dot_general3A_993, %concatenate3A_112 : vector<128x384xf32>
      %integer_pow3A_995 = arith.mulf %add3A_994, %add3A_994 : vector<128x384xf32>
      %integer_pow3A_996 = arith.mulf %add3A_994, %integer_pow3A_995 : vector<128x384xf32>
      %mul3A_997 = arith.constant 4.471500e-02 : f32
      %mul3A_998 = vector.broadcast %mul3A_997 : f32 to vector<128x384xf32>
      %mul3A_999 = arith.mulf %mul3A_998, %integer_pow3A_996 : vector<128x384xf32>
      %add3A_1000 = arith.addf %add3A_994, %mul3A_999 : vector<128x384xf32>
      %mul3A_1001 = arith.constant 0.797884583 : f32
      %mul3A_1002 = vector.broadcast %mul3A_1001 : f32 to vector<128x384xf32>
      %mul3A_1003 = arith.mulf %mul3A_1002, %add3A_1000 : vector<128x384xf32>
      %tanh3A_1004 = math.tanh %mul3A_1003 : vector<128x384xf32>
      %add3A_1005 = arith.constant 1.000000e+00 : f32
      %add3A_1006 = vector.broadcast %add3A_1005 : f32 to vector<128x384xf32>
      %add3A_1007 = arith.addf %add3A_1006, %tanh3A_1004 : vector<128x384xf32>
      %mul3A_1008 = arith.constant 5.000000e-01 : f32
      %mul3A_1009 = vector.broadcast %mul3A_1008 : f32 to vector<128x384xf32>
      %mul3A_1010 = arith.mulf %mul3A_1009, %add3A_1007 : vector<128x384xf32>
      %mul3A_1011 = arith.mulf %add3A_994, %mul3A_1010 : vector<128x384xf32>
      %mul3A_1012 = arith.constant 8 : i32
      %mul3A_1013 = arith.muli %while3A_983, %mul3A_1012 : i32
      %sub3A_1014 = arith.subi %get3A_114, %mul3A_1013 : i32
      %mul3A_1015 = arith.constant 16 : i32
      %mul3A_1016 = arith.muli %sub3A_1014, %mul3A_1015 : i32
      %lt3A = vector.broadcast %mul3A_1016 : i32 to vector<1x128xi32>
      %lt3A_1017 = arith.cmpi slt, %iota3A, %lt3A : vector<1x128xi32>
      %convert_element_type3A_1018 = arith.extui %lt3A_1017 : vector<1x128xi1> to vector<1x128xi32>
      %convert_element_type3A_1019 = arith.sitofp %convert_element_type3A_1018 : vector<1x128xi32> to vector<1x128xf32>
      %convert_element_type3A_1020 = arith.truncf %convert_element_type3A_1019 : vector<1x128xf32> to vector<1x128xbf16>
      %convert_element_type3A_1021 = arith.truncf %mul3A_1011 : vector<128x384xf32> to vector<128x384xbf16>
      %dot_general3A_1022 = arith.constant dense<0.000000e+00> : vector<1x384xf32>
      %dot_general3A_1023 = tpu.matmul %convert_element_type3A_1020, %convert_element_type3A_1021, %dot_general3A_1022 {dimension_numbers = #tpu.dot_dimension_numbers<[1], [0], [0], [1], [0, 0, 1, 1], [], []>, transpose_lhs_hint = false} : vector<1x128xbf16>, vector<128x384xbf16>, vector<1x384xf32> -> vector<1x384xf32>
      %add3A_1024 = arith.addf %while3A_984, %dot_general3A_1023 : vector<1x384xf32>
      scf.yield %add3A_1024 : vector<1x384xf32>
    }
    %while3A_154 = arith.constant 1 : i32
    %while3A_155 = scf.for %while3A_983 = %while3A_151 to %while3A_147 step %while3A_154 iter_args(%while3A_984 = %while3A_153) -> (vector<1x384xf32>)  : i32 {
      %mul3A_985 = arith.constant 128 : i32
      %mul3A_986 = arith.muli %while3A_983, %mul3A_985 : i32
      %get3A_987 = arith.constant 2 : index
      %get3A_988 = arith.index_cast %mul3A_986 : i32 to index
      %get3A_989 = arith.constant 0 : index
      %get3A_990 = vector.load %arg2[%get3A_987, %get3A_988, %get3A_989] : memref<16x768x96xbf16, #tpu.memory_space<vmem>>, vector<1x128x96xbf16>
      %get3A_991 = vector.shape_cast %get3A_990 : vector<1x128x96xbf16> to vector<128x96xbf16>
      %dot_general3A_992 = arith.constant dense<0.000000e+00> : vector<128x384xf32>
      %dot_general3A_993 = tpu.matmul %get3A_991, %get3A_1, %dot_general3A_992 {dimension_numbers = #tpu.dot_dimension_numbers<[1], [0], [0], [1], [0, 0, 1, 1], [], []>, transpose_lhs_hint = false} : vector<128x96xbf16>, vector<96x384xbf16>, vector<128x384xf32> -> vector<128x384xf32>
      %add3A_994 = arith.addf %dot_general3A_993, %concatenate3A_112 : vector<128x384xf32>
      %integer_pow3A_995 = arith.mulf %add3A_994, %add3A_994 : vector<128x384xf32>
      %integer_pow3A_996 = arith.mulf %add3A_994, %integer_pow3A_995 : vector<128x384xf32>
      %mul3A_997 = arith.constant 4.471500e-02 : f32
      %mul3A_998 = vector.broadcast %mul3A_997 : f32 to vector<128x384xf32>
      %mul3A_999 = arith.mulf %mul3A_998, %integer_pow3A_996 : vector<128x384xf32>
      %add3A_1000 = arith.addf %add3A_994, %mul3A_999 : vector<128x384xf32>
      %mul3A_1001 = arith.constant 0.797884583 : f32
      %mul3A_1002 = vector.broadcast %mul3A_1001 : f32 to vector<128x384xf32>
      %mul3A_1003 = arith.mulf %mul3A_1002, %add3A_1000 : vector<128x384xf32>
      %tanh3A_1004 = math.tanh %mul3A_1003 : vector<128x384xf32>
      %add3A_1005 = arith.constant 1.000000e+00 : f32
      %add3A_1006 = vector.broadcast %add3A_1005 : f32 to vector<128x384xf32>
      %add3A_1007 = arith.addf %add3A_1006, %tanh3A_1004 : vector<128x384xf32>
      %mul3A_1008 = arith.constant 5.000000e-01 : f32
      %mul3A_1009 = vector.broadcast %mul3A_1008 : f32 to vector<128x384xf32>
      %mul3A_1010 = arith.mulf %mul3A_1009, %add3A_1007 : vector<128x384xf32>
      %mul3A_1011 = arith.mulf %add3A_994, %mul3A_1010 : vector<128x384xf32>
      %mul3A_1012 = arith.constant 8 : i32
      %mul3A_1013 = arith.muli %while3A_983, %mul3A_1012 : i32
      %sub3A_1014 = arith.subi %get3A_114, %mul3A_1013 : i32
      %mul3A_1015 = arith.constant 16 : i32
      %mul3A_1016 = arith.muli %sub3A_1014, %mul3A_1015 : i32
      %lt3A = vector.broadcast %mul3A_1016 : i32 to vector<1x128xi32>
      %lt3A_1017 = arith.cmpi slt, %iota3A, %lt3A : vector<1x128xi32>
      %convert_element_type3A_1018 = arith.extui %lt3A_1017 : vector<1x128xi1> to vector<1x128xi32>
      %convert_element_type3A_1019 = arith.sitofp %convert_element_type3A_1018 : vector<1x128xi32> to vector<1x128xf32>
      %convert_element_type3A_1020 = arith.truncf %convert_element_type3A_1019 : vector<1x128xf32> to vector<1x128xbf16>
      %convert_element_type3A_1021 = arith.truncf %mul3A_1011 : vector<128x384xf32> to vector<128x384xbf16>
      %dot_general3A_1022 = arith.constant dense<0.000000e+00> : vector<1x384xf32>
      %dot_general3A_1023 = tpu.matmul %convert_element_type3A_1020, %convert_element_type3A_1021, %dot_general3A_1022 {dimension_numbers = #tpu.dot_dimension_numbers<[1], [0], [0], [1], [0, 0, 1, 1], [], []>, transpose_lhs_hint = false} : vector<1x128xbf16>, vector<128x384xbf16>, vector<1x384xf32> -> vector<1x384xf32>
      %add3A_1024 = arith.addf %while3A_984, %dot_general3A_1023 : vector<1x384xf32>
      scf.yield %add3A_1024 : vector<1x384xf32>
    }
    %mul3A_156 = arith.constant 16 : i32
    %mul3A_157 = arith.muli %get3A_114, %mul3A_156 : i32
    %max3A_158 = arith.constant 1 : i32
    %max3A_159 = arith.maxsi %mul3A_157, %max3A_158 : i32
    %convert_element_type3A_160 = arith.sitofp %max3A_159 : i32 to f32
    %div3A_161 = vector.broadcast %convert_element_type3A_160 : f32 to vector<1x384xf32>
    %div3A_162 = arith.divf %while3A_155, %div3A_161 : vector<1x384xf32>
    %swap3A_163 = arith.constant 2 : index
    %swap3A_164 = arith.constant 0 : index
    %swap3A_165 = vector.load %arg11[%swap3A_163, %swap3A_164] : memref<16x384xf32, #tpu.memory_space<vmem>>, vector<1x384xf32>
    tpu.vector_store %arg11[%swap3A_163, %swap3A_164], %div3A_162 {strides = array<i32>} : memref<16x384xf32, #tpu.memory_space<vmem>>, vector<1x384xf32>,
    %get3A_166 = arith.constant 48 : index
    %get3A_167 = arith.constant 0 : index
    %get3A_168 = vector.load %arg5[%get3A_166, %get3A_167] : memref<256x384xf32, #tpu.memory_space<vmem>>, vector<16x384xf32>
    %add3A_169 = vector.broadcast %get3A_4 : vector<1x384xf32> to vector<16x384xf32>
    %add3A_170 = arith.addf %get3A_168, %add3A_169 : vector<16x384xf32>
    %concatenate3A_171 = tpu.concatenate %add3A_170, %add3A_170, %add3A_170, %add3A_170, %add3A_170, %add3A_170, %add3A_170, %add3A_170 in 0 : vector<16x384xf32>, vector<16x384xf32>, vector<16x384xf32>, vector<16x384xf32>, vector<16x384xf32>, vector<16x384xf32>, vector<16x384xf32>, vector<16x384xf32> -> vector<128x384xf32>
    %get3A_172 = arith.constant 3 : index
    %get3A_173 = memref.load %arg1[%get3A_172] : memref<16xi32, #tpu.memory_space<smem>>
    %add3A_174 = arith.constant 8 : i32
    %add3A_175 = arith.addi %get3A_173, %add3A_174 : i32
    %sub3A_176 = arith.constant 1 : i32
    %sub3A_177 = arith.subi %add3A_175, %sub3A_176 : i32
    %jit3A_178 = arith.constant 8 : i32
    %div3A_179 = arith.divsi %sub3A_177, %jit3A_178 : i32
    %sign3A_180 = arith.constant 0 : i32
    %sign3A_181 = arith.cmpi sgt, %sub3A_177, %sign3A_180 : i32
    %sign3A_182 = arith.extui %sign3A_181 : i1 to i32
    %sign3A_183 = arith.constant 0 : i32
    %sign3A_184 = arith.cmpi slt, %sub3A_177, %sign3A_183 : i32
    %sign3A_185 = arith.extui %sign3A_184 : i1 to i32
    %sign3A_186 = arith.subi %sign3A_182, %sign3A_185 : i32
    %sign3A_187 = arith.constant 0 : i32
    %sign3A_188 = arith.cmpi sgt, %jit3A_178, %sign3A_187 : i32
    %sign3A_189 = arith.extui %sign3A_188 : i1 to i32
    %sign3A_190 = arith.constant 0 : i32
    %sign3A_191 = arith.cmpi slt, %jit3A_178, %sign3A_190 : i32
    %sign3A_192 = arith.extui %sign3A_191 : i1 to i32
    %sign3A_193 = arith.subi %sign3A_189, %sign3A_192 : i32
    %ne3A_194 = arith.cmpi ne, %sign3A_186, %sign3A_193 : i32
    %rem3A_195 = arith.remsi %sub3A_177, %jit3A_178 : i32
    %ne3A_196 = arith.constant 0 : i32
    %ne3A_197 = arith.cmpi ne, %rem3A_195, %ne3A_196 : i32
    %and3A_198 = arith.andi %ne3A_194, %ne3A_197 : i1
    %sub3A_199 = arith.constant 1 : i32
    %sub3A_200 = arith.subi %div3A_179, %sub3A_199 : i32
    %select_n3A_201 = arith.select %and3A_198, %sub3A_200, %div3A_179 : i32
    %broadcast_in_dim3A_202 = arith.constant 0.000000e+00 : f32
    %broadcast_in_dim3A_203 = vector.broadcast %broadcast_in_dim3A_202 : f32 to vector<1x384xf32>
    %while3A_204 = arith.constant 0 : i32
    %while3A_205 = arith.subi %select_n3A_201, %while3A_204 : i32
    %while3A_206 = arith.addi %while3A_204, %while3A_205 : i32
    %while3A_207 = arith.constant 1 : i32
    %while3A_208 = arith.divsi %while3A_205, %while3A_207 : i32
    %while3A_209 = arith.muli %while3A_208, %while3A_207 : i32
    %while3A_210 = arith.addi %while3A_204, %while3A_209 : i32
    %while3A_211 = arith.constant 1 : i32
    %while3A_212 = scf.for %while3A_983 = %while3A_204 to %while3A_210 step %while3A_211 iter_args(%while3A_984 = %broadcast_in_dim3A_203) -> (vector<1x384xf32>)  : i32 {
      %mul3A_985 = arith.constant 128 : i32
      %mul3A_986 = arith.muli %while3A_983, %mul3A_985 : i32
      %get3A_987 = arith.constant 3 : index
      %get3A_988 = arith.index_cast %mul3A_986 : i32 to index
      %get3A_989 = arith.constant 0 : index
      %get3A_990 = vector.load %arg2[%get3A_987, %get3A_988, %get3A_989] : memref<16x768x96xbf16, #tpu.memory_space<vmem>>, vector<1x128x96xbf16>
      %get3A_991 = vector.shape_cast %get3A_990 : vector<1x128x96xbf16> to vector<128x96xbf16>
      %dot_general3A_992 = arith.constant dense<0.000000e+00> : vector<128x384xf32>
      %dot_general3A_993 = tpu.matmul %get3A_991, %get3A_1, %dot_general3A_992 {dimension_numbers = #tpu.dot_dimension_numbers<[1], [0], [0], [1], [0, 0, 1, 1], [], []>, transpose_lhs_hint = false} : vector<128x96xbf16>, vector<96x384xbf16>, vector<128x384xf32> -> vector<128x384xf32>
      %add3A_994 = arith.addf %dot_general3A_993, %concatenate3A_171 : vector<128x384xf32>
      %integer_pow3A_995 = arith.mulf %add3A_994, %add3A_994 : vector<128x384xf32>
      %integer_pow3A_996 = arith.mulf %add3A_994, %integer_pow3A_995 : vector<128x384xf32>
      %mul3A_997 = arith.constant 4.471500e-02 : f32
      %mul3A_998 = vector.broadcast %mul3A_997 : f32 to vector<128x384xf32>
      %mul3A_999 = arith.mulf %mul3A_998, %integer_pow3A_996 : vector<128x384xf32>
      %add3A_1000 = arith.addf %add3A_994, %mul3A_999 : vector<128x384xf32>
      %mul3A_1001 = arith.constant 0.797884583 : f32
      %mul3A_1002 = vector.broadcast %mul3A_1001 : f32 to vector<128x384xf32>
      %mul3A_1003 = arith.mulf %mul3A_1002, %add3A_1000 : vector<128x384xf32>
      %tanh3A_1004 = math.tanh %mul3A_1003 : vector<128x384xf32>
      %add3A_1005 = arith.constant 1.000000e+00 : f32
      %add3A_1006 = vector.broadcast %add3A_1005 : f32 to vector<128x384xf32>
      %add3A_1007 = arith.addf %add3A_1006, %tanh3A_1004 : vector<128x384xf32>
      %mul3A_1008 = arith.constant 5.000000e-01 : f32
      %mul3A_1009 = vector.broadcast %mul3A_1008 : f32 to vector<128x384xf32>
      %mul3A_1010 = arith.mulf %mul3A_1009, %add3A_1007 : vector<128x384xf32>
      %mul3A_1011 = arith.mulf %add3A_994, %mul3A_1010 : vector<128x384xf32>
      %mul3A_1012 = arith.constant 8 : i32
      %mul3A_1013 = arith.muli %while3A_983, %mul3A_1012 : i32
      %sub3A_1014 = arith.subi %get3A_173, %mul3A_1013 : i32
      %mul3A_1015 = arith.constant 16 : i32
      %mul3A_1016 = arith.muli %sub3A_1014, %mul3A_1015 : i32
      %lt3A = vector.broadcast %mul3A_1016 : i32 to vector<1x128xi32>
      %lt3A_1017 = arith.cmpi slt, %iota3A, %lt3A : vector<1x128xi32>
      %convert_element_type3A_1018 = arith.extui %lt3A_1017 : vector<1x128xi1> to vector<1x128xi32>
      %convert_element_type3A_1019 = arith.sitofp %convert_element_type3A_1018 : vector<1x128xi32> to vector<1x128xf32>
      %convert_element_type3A_1020 = arith.truncf %convert_element_type3A_1019 : vector<1x128xf32> to vector<1x128xbf16>
      %convert_element_type3A_1021 = arith.truncf %mul3A_1011 : vector<128x384xf32> to vector<128x384xbf16>
      %dot_general3A_1022 = arith.constant dense<0.000000e+00> : vector<1x384xf32>
      %dot_general3A_1023 = tpu.matmul %convert_element_type3A_1020, %convert_element_type3A_1021, %dot_general3A_1022 {dimension_numbers = #tpu.dot_dimension_numbers<[1], [0], [0], [1], [0, 0, 1, 1], [], []>, transpose_lhs_hint = false} : vector<1x128xbf16>, vector<128x384xbf16>, vector<1x384xf32> -> vector<1x384xf32>
      %add3A_1024 = arith.addf %while3A_984, %dot_general3A_1023 : vector<1x384xf32>
      scf.yield %add3A_1024 : vector<1x384xf32>
    }
    %while3A_213 = arith.constant 1 : i32
    %while3A_214 = scf.for %while3A_983 = %while3A_210 to %while3A_206 step %while3A_213 iter_args(%while3A_984 = %while3A_212) -> (vector<1x384xf32>)  : i32 {
      %mul3A_985 = arith.constant 128 : i32
      %mul3A_986 = arith.muli %while3A_983, %mul3A_985 : i32
      %get3A_987 = arith.constant 3 : index
      %get3A_988 = arith.index_cast %mul3A_986 : i32 to index
      %get3A_989 = arith.constant 0 : index
      %get3A_990 = vector.load %arg2[%get3A_987, %get3A_988, %get3A_989] : memref<16x768x96xbf16, #tpu.memory_space<vmem>>, vector<1x128x96xbf16>
      %get3A_991 = vector.shape_cast %get3A_990 : vector<1x128x96xbf16> to vector<128x96xbf16>
      %dot_general3A_992 = arith.constant dense<0.000000e+00> : vector<128x384xf32>
      %dot_general3A_993 = tpu.matmul %get3A_991, %get3A_1, %dot_general3A_992 {dimension_numbers = #tpu.dot_dimension_numbers<[1], [0], [0], [1], [0, 0, 1, 1], [], []>, transpose_lhs_hint = false} : vector<128x96xbf16>, vector<96x384xbf16>, vector<128x384xf32> -> vector<128x384xf32>
      %add3A_994 = arith.addf %dot_general3A_993, %concatenate3A_171 : vector<128x384xf32>
      %integer_pow3A_995 = arith.mulf %add3A_994, %add3A_994 : vector<128x384xf32>
      %integer_pow3A_996 = arith.mulf %add3A_994, %integer_pow3A_995 : vector<128x384xf32>
      %mul3A_997 = arith.constant 4.471500e-02 : f32
      %mul3A_998 = vector.broadcast %mul3A_997 : f32 to vector<128x384xf32>
      %mul3A_999 = arith.mulf %mul3A_998, %integer_pow3A_996 : vector<128x384xf32>
      %add3A_1000 = arith.addf %add3A_994, %mul3A_999 : vector<128x384xf32>
      %mul3A_1001 = arith.constant 0.797884583 : f32
      %mul3A_1002 = vector.broadcast %mul3A_1001 : f32 to vector<128x384xf32>
      %mul3A_1003 = arith.mulf %mul3A_1002, %add3A_1000 : vector<128x384xf32>
      %tanh3A_1004 = math.tanh %mul3A_1003 : vector<128x384xf32>
      %add3A_1005 = arith.constant 1.000000e+00 : f32
      %add3A_1006 = vector.broadcast %add3A_1005 : f32 to vector<128x384xf32>
      %add3A_1007 = arith.addf %add3A_1006, %tanh3A_1004 : vector<128x384xf32>
      %mul3A_1008 = arith.constant 5.000000e-01 : f32
      %mul3A_1009 = vector.broadcast %mul3A_1008 : f32 to vector<128x384xf32>
      %mul3A_1010 = arith.mulf %mul3A_1009, %add3A_1007 : vector<128x384xf32>
      %mul3A_1011 = arith.mulf %add3A_994, %mul3A_1010 : vector<128x384xf32>
      %mul3A_1012 = arith.constant 8 : i32
      %mul3A_1013 = arith.muli %while3A_983, %mul3A_1012 : i32
      %sub3A_1014 = arith.subi %get3A_173, %mul3A_1013 : i32
      %mul3A_1015 = arith.constant 16 : i32
      %mul3A_1016 = arith.muli %sub3A_1014, %mul3A_1015 : i32
      %lt3A = vector.broadcast %mul3A_1016 : i32 to vector<1x128xi32>
      %lt3A_1017 = arith.cmpi slt, %iota3A, %lt3A : vector<1x128xi32>
      %convert_element_type3A_1018 = arith.extui %lt3A_1017 : vector<1x128xi1> to vector<1x128xi32>
      %convert_element_type3A_1019 = arith.sitofp %convert_element_type3A_1018 : vector<1x128xi32> to vector<1x128xf32>
      %convert_element_type3A_1020 = arith.truncf %convert_element_type3A_1019 : vector<1x128xf32> to vector<1x128xbf16>
      %convert_element_type3A_1021 = arith.truncf %mul3A_1011 : vector<128x384xf32> to vector<128x384xbf16>
      %dot_general3A_1022 = arith.constant dense<0.000000e+00> : vector<1x384xf32>
      %dot_general3A_1023 = tpu.matmul %convert_element_type3A_1020, %convert_element_type3A_1021, %dot_general3A_1022 {dimension_numbers = #tpu.dot_dimension_numbers<[1], [0], [0], [1], [0, 0, 1, 1], [], []>, transpose_lhs_hint = false} : vector<1x128xbf16>, vector<128x384xbf16>, vector<1x384xf32> -> vector<1x384xf32>
      %add3A_1024 = arith.addf %while3A_984, %dot_general3A_1023 : vector<1x384xf32>
      scf.yield %add3A_1024 : vector<1x384xf32>
    }
    %mul3A_215 = arith.constant 16 : i32
    %mul3A_216 = arith.muli %get3A_173, %mul3A_215 : i32
    %max3A_217 = arith.constant 1 : i32
    %max3A_218 = arith.maxsi %mul3A_216, %max3A_217 : i32
    %convert_element_type3A_219 = arith.sitofp %max3A_218 : i32 to f32
    %div3A_220 = vector.broadcast %convert_element_type3A_219 : f32 to vector<1x384xf32>
    %div3A_221 = arith.divf %while3A_214, %div3A_220 : vector<1x384xf32>
    %swap3A_222 = arith.constant 3 : index
    %swap3A_223 = arith.constant 0 : index
    %swap3A_224 = vector.load %arg11[%swap3A_222, %swap3A_223] : memref<16x384xf32, #tpu.memory_space<vmem>>, vector<1x384xf32>
    tpu.vector_store %arg11[%swap3A_222, %swap3A_223], %div3A_221 {strides = array<i32>} : memref<16x384xf32, #tpu.memory_space<vmem>>, vector<1x384xf32>,
    %get3A_225 = arith.constant 64 : index
    %get3A_226 = arith.constant 0 : index
    %get3A_227 = vector.load %arg5[%get3A_225, %get3A_226] : memref<256x384xf32, #tpu.memory_space<vmem>>, vector<16x384xf32>
    %add3A_228 = vector.broadcast %get3A_4 : vector<1x384xf32> to vector<16x384xf32>
    %add3A_229 = arith.addf %get3A_227, %add3A_228 : vector<16x384xf32>
    %concatenate3A_230 = tpu.concatenate %add3A_229, %add3A_229, %add3A_229, %add3A_229, %add3A_229, %add3A_229, %add3A_229, %add3A_229 in 0 : vector<16x384xf32>, vector<16x384xf32>, vector<16x384xf32>, vector<16x384xf32>, vector<16x384xf32>, vector<16x384xf32>, vector<16x384xf32>, vector<16x384xf32> -> vector<128x384xf32>
    %get3A_231 = arith.constant 4 : index
    %get3A_232 = memref.load %arg1[%get3A_231] : memref<16xi32, #tpu.memory_space<smem>>
    %add3A_233 = arith.constant 8 : i32
    %add3A_234 = arith.addi %get3A_232, %add3A_233 : i32
    %sub3A_235 = arith.constant 1 : i32
    %sub3A_236 = arith.subi %add3A_234, %sub3A_235 : i32
    %jit3A_237 = arith.constant 8 : i32
    %div3A_238 = arith.divsi %sub3A_236, %jit3A_237 : i32
    %sign3A_239 = arith.constant 0 : i32
    %sign3A_240 = arith.cmpi sgt, %sub3A_236, %sign3A_239 : i32
    %sign3A_241 = arith.extui %sign3A_240 : i1 to i32
    %sign3A_242 = arith.constant 0 : i32
    %sign3A_243 = arith.cmpi slt, %sub3A_236, %sign3A_242 : i32
    %sign3A_244 = arith.extui %sign3A_243 : i1 to i32
    %sign3A_245 = arith.subi %sign3A_241, %sign3A_244 : i32
    %sign3A_246 = arith.constant 0 : i32
    %sign3A_247 = arith.cmpi sgt, %jit3A_237, %sign3A_246 : i32
    %sign3A_248 = arith.extui %sign3A_247 : i1 to i32
    %sign3A_249 = arith.constant 0 : i32
    %sign3A_250 = arith.cmpi slt, %jit3A_237, %sign3A_249 : i32
    %sign3A_251 = arith.extui %sign3A_250 : i1 to i32
    %sign3A_252 = arith.subi %sign3A_248, %sign3A_251 : i32
    %ne3A_253 = arith.cmpi ne, %sign3A_245, %sign3A_252 : i32
    %rem3A_254 = arith.remsi %sub3A_236, %jit3A_237 : i32
    %ne3A_255 = arith.constant 0 : i32
    %ne3A_256 = arith.cmpi ne, %rem3A_254, %ne3A_255 : i32
    %and3A_257 = arith.andi %ne3A_253, %ne3A_256 : i1
    %sub3A_258 = arith.constant 1 : i32
    %sub3A_259 = arith.subi %div3A_238, %sub3A_258 : i32
    %select_n3A_260 = arith.select %and3A_257, %sub3A_259, %div3A_238 : i32
    %broadcast_in_dim3A_261 = arith.constant 0.000000e+00 : f32
    %broadcast_in_dim3A_262 = vector.broadcast %broadcast_in_dim3A_261 : f32 to vector<1x384xf32>
    %while3A_263 = arith.constant 0 : i32
    %while3A_264 = arith.subi %select_n3A_260, %while3A_263 : i32
    %while3A_265 = arith.addi %while3A_263, %while3A_264 : i32
    %while3A_266 = arith.constant 1 : i32
    %while3A_267 = arith.divsi %while3A_264, %while3A_266 : i32
    %while3A_268 = arith.muli %while3A_267, %while3A_266 : i32
    %while3A_269 = arith.addi %while3A_263, %while3A_268 : i32
    %while3A_270 = arith.constant 1 : i32
    %while3A_271 = scf.for %while3A_983 = %while3A_263 to %while3A_269 step %while3A_270 iter_args(%while3A_984 = %broadcast_in_dim3A_262) -> (vector<1x384xf32>)  : i32 {
      %mul3A_985 = arith.constant 128 : i32
      %mul3A_986 = arith.muli %while3A_983, %mul3A_985 : i32
      %get3A_987 = arith.constant 4 : index
      %get3A_988 = arith.index_cast %mul3A_986 : i32 to index
      %get3A_989 = arith.constant 0 : index
      %get3A_990 = vector.load %arg2[%get3A_987, %get3A_988, %get3A_989] : memref<16x768x96xbf16, #tpu.memory_space<vmem>>, vector<1x128x96xbf16>
      %get3A_991 = vector.shape_cast %get3A_990 : vector<1x128x96xbf16> to vector<128x96xbf16>
      %dot_general3A_992 = arith.constant dense<0.000000e+00> : vector<128x384xf32>
      %dot_general3A_993 = tpu.matmul %get3A_991, %get3A_1, %dot_general3A_992 {dimension_numbers = #tpu.dot_dimension_numbers<[1], [0], [0], [1], [0, 0, 1, 1], [], []>, transpose_lhs_hint = false} : vector<128x96xbf16>, vector<96x384xbf16>, vector<128x384xf32> -> vector<128x384xf32>
      %add3A_994 = arith.addf %dot_general3A_993, %concatenate3A_230 : vector<128x384xf32>
      %integer_pow3A_995 = arith.mulf %add3A_994, %add3A_994 : vector<128x384xf32>
      %integer_pow3A_996 = arith.mulf %add3A_994, %integer_pow3A_995 : vector<128x384xf32>
      %mul3A_997 = arith.constant 4.471500e-02 : f32
      %mul3A_998 = vector.broadcast %mul3A_997 : f32 to vector<128x384xf32>
      %mul3A_999 = arith.mulf %mul3A_998, %integer_pow3A_996 : vector<128x384xf32>
      %add3A_1000 = arith.addf %add3A_994, %mul3A_999 : vector<128x384xf32>
      %mul3A_1001 = arith.constant 0.797884583 : f32
      %mul3A_1002 = vector.broadcast %mul3A_1001 : f32 to vector<128x384xf32>
      %mul3A_1003 = arith.mulf %mul3A_1002, %add3A_1000 : vector<128x384xf32>
      %tanh3A_1004 = math.tanh %mul3A_1003 : vector<128x384xf32>
      %add3A_1005 = arith.constant 1.000000e+00 : f32
      %add3A_1006 = vector.broadcast %add3A_1005 : f32 to vector<128x384xf32>
      %add3A_1007 = arith.addf %add3A_1006, %tanh3A_1004 : vector<128x384xf32>
      %mul3A_1008 = arith.constant 5.000000e-01 : f32
      %mul3A_1009 = vector.broadcast %mul3A_1008 : f32 to vector<128x384xf32>
      %mul3A_1010 = arith.mulf %mul3A_1009, %add3A_1007 : vector<128x384xf32>
      %mul3A_1011 = arith.mulf %add3A_994, %mul3A_1010 : vector<128x384xf32>
      %mul3A_1012 = arith.constant 8 : i32
      %mul3A_1013 = arith.muli %while3A_983, %mul3A_1012 : i32
      %sub3A_1014 = arith.subi %get3A_232, %mul3A_1013 : i32
      %mul3A_1015 = arith.constant 16 : i32
      %mul3A_1016 = arith.muli %sub3A_1014, %mul3A_1015 : i32
      %lt3A = vector.broadcast %mul3A_1016 : i32 to vector<1x128xi32>
      %lt3A_1017 = arith.cmpi slt, %iota3A, %lt3A : vector<1x128xi32>
      %convert_element_type3A_1018 = arith.extui %lt3A_1017 : vector<1x128xi1> to vector<1x128xi32>
      %convert_element_type3A_1019 = arith.sitofp %convert_element_type3A_1018 : vector<1x128xi32> to vector<1x128xf32>
      %convert_element_type3A_1020 = arith.truncf %convert_element_type3A_1019 : vector<1x128xf32> to vector<1x128xbf16>
      %convert_element_type3A_1021 = arith.truncf %mul3A_1011 : vector<128x384xf32> to vector<128x384xbf16>
      %dot_general3A_1022 = arith.constant dense<0.000000e+00> : vector<1x384xf32>
      %dot_general3A_1023 = tpu.matmul %convert_element_type3A_1020, %convert_element_type3A_1021, %dot_general3A_1022 {dimension_numbers = #tpu.dot_dimension_numbers<[1], [0], [0], [1], [0, 0, 1, 1], [], []>, transpose_lhs_hint = false} : vector<1x128xbf16>, vector<128x384xbf16>, vector<1x384xf32> -> vector<1x384xf32>
      %add3A_1024 = arith.addf %while3A_984, %dot_general3A_1023 : vector<1x384xf32>
      scf.yield %add3A_1024 : vector<1x384xf32>
    }
    %while3A_272 = arith.constant 1 : i32
    %while3A_273 = scf.for %while3A_983 = %while3A_269 to %while3A_265 step %while3A_272 iter_args(%while3A_984 = %while3A_271) -> (vector<1x384xf32>)  : i32 {
      %mul3A_985 = arith.constant 128 : i32
      %mul3A_986 = arith.muli %while3A_983, %mul3A_985 : i32
      %get3A_987 = arith.constant 4 : index
      %get3A_988 = arith.index_cast %mul3A_986 : i32 to index
      %get3A_989 = arith.constant 0 : index
      %get3A_990 = vector.load %arg2[%get3A_987, %get3A_988, %get3A_989] : memref<16x768x96xbf16, #tpu.memory_space<vmem>>, vector<1x128x96xbf16>
      %get3A_991 = vector.shape_cast %get3A_990 : vector<1x128x96xbf16> to vector<128x96xbf16>
      %dot_general3A_992 = arith.constant dense<0.000000e+00> : vector<128x384xf32>
      %dot_general3A_993 = tpu.matmul %get3A_991, %get3A_1, %dot_general3A_992 {dimension_numbers = #tpu.dot_dimension_numbers<[1], [0], [0], [1], [0, 0, 1, 1], [], []>, transpose_lhs_hint = false} : vector<128x96xbf16>, vector<96x384xbf16>, vector<128x384xf32> -> vector<128x384xf32>
      %add3A_994 = arith.addf %dot_general3A_993, %concatenate3A_230 : vector<128x384xf32>
      %integer_pow3A_995 = arith.mulf %add3A_994, %add3A_994 : vector<128x384xf32>
      %integer_pow3A_996 = arith.mulf %add3A_994, %integer_pow3A_995 : vector<128x384xf32>
      %mul3A_997 = arith.constant 4.471500e-02 : f32
      %mul3A_998 = vector.broadcast %mul3A_997 : f32 to vector<128x384xf32>
      %mul3A_999 = arith.mulf %mul3A_998, %integer_pow3A_996 : vector<128x384xf32>
      %add3A_1000 = arith.addf %add3A_994, %mul3A_999 : vector<128x384xf32>
      %mul3A_1001 = arith.constant 0.797884583 : f32
      %mul3A_1002 = vector.broadcast %mul3A_1001 : f32 to vector<128x384xf32>
      %mul3A_1003 = arith.mulf %mul3A_1002, %add3A_1000 : vector<128x384xf32>
      %tanh3A_1004 = math.tanh %mul3A_1003 : vector<128x384xf32>
      %add3A_1005 = arith.constant 1.000000e+00 : f32
      %add3A_1006 = vector.broadcast %add3A_1005 : f32 to vector<128x384xf32>
      %add3A_1007 = arith.addf %add3A_1006, %tanh3A_1004 : vector<128x384xf32>
      %mul3A_1008 = arith.constant 5.000000e-01 : f32
      %mul3A_1009 = vector.broadcast %mul3A_1008 : f32 to vector<128x384xf32>
      %mul3A_1010 = arith.mulf %mul3A_1009, %add3A_1007 : vector<128x384xf32>
      %mul3A_1011 = arith.mulf %add3A_994, %mul3A_1010 : vector<128x384xf32>
      %mul3A_1012 = arith.constant 8 : i32
      %mul3A_1013 = arith.muli %while3A_983, %mul3A_1012 : i32
      %sub3A_1014 = arith.subi %get3A_232, %mul3A_1013 : i32
      %mul3A_1015 = arith.constant 16 : i32
      %mul3A_1016 = arith.muli %sub3A_1014, %mul3A_1015 : i32
      %lt3A = vector.broadcast %mul3A_1016 : i32 to vector<1x128xi32>
      %lt3A_1017 = arith.cmpi slt, %iota3A, %lt3A : vector<1x128xi32>
      %convert_element_type3A_1018 = arith.extui %lt3A_1017 : vector<1x128xi1> to vector<1x128xi32>
      %convert_element_type3A_1019 = arith.sitofp %convert_element_type3A_1018 : vector<1x128xi32> to vector<1x128xf32>
      %convert_element_type3A_1020 = arith.truncf %convert_element_type3A_1019 : vector<1x128xf32> to vector<1x128xbf16>
      %convert_element_type3A_1021 = arith.truncf %mul3A_1011 : vector<128x384xf32> to vector<128x384xbf16>
      %dot_general3A_1022 = arith.constant dense<0.000000e+00> : vector<1x384xf32>
      %dot_general3A_1023 = tpu.matmul %convert_element_type3A_1020, %convert_element_type3A_1021, %dot_general3A_1022 {dimension_numbers = #tpu.dot_dimension_numbers<[1], [0], [0], [1], [0, 0, 1, 1], [], []>, transpose_lhs_hint = false} : vector<1x128xbf16>, vector<128x384xbf16>, vector<1x384xf32> -> vector<1x384xf32>
      %add3A_1024 = arith.addf %while3A_984, %dot_general3A_1023 : vector<1x384xf32>
      scf.yield %add3A_1024 : vector<1x384xf32>
    }
    %mul3A_274 = arith.constant 16 : i32
    %mul3A_275 = arith.muli %get3A_232, %mul3A_274 : i32
    %max3A_276 = arith.constant 1 : i32
    %max3A_277 = arith.maxsi %mul3A_275, %max3A_276 : i32
    %convert_element_type3A_278 = arith.sitofp %max3A_277 : i32 to f32
    %div3A_279 = vector.broadcast %convert_element_type3A_278 : f32 to vector<1x384xf32>
    %div3A_280 = arith.divf %while3A_273, %div3A_279 : vector<1x384xf32>
    %swap3A_281 = arith.constant 4 : index
    %swap3A_282 = arith.constant 0 : index
    %swap3A_283 = vector.load %arg11[%swap3A_281, %swap3A_282] : memref<16x384xf32, #tpu.memory_space<vmem>>, vector<1x384xf32>
    tpu.vector_store %arg11[%swap3A_281, %swap3A_282], %div3A_280 {strides = array<i32>} : memref<16x384xf32, #tpu.memory_space<vmem>>, vector<1x384xf32>,
    %get3A_284 = arith.constant 80 : index
    %get3A_285 = arith.constant 0 : index
    %get3A_286 = vector.load %arg5[%get3A_284, %get3A_285] : memref<256x384xf32, #tpu.memory_space<vmem>>, vector<16x384xf32>
    %add3A_287 = vector.broadcast %get3A_4 : vector<1x384xf32> to vector<16x384xf32>
    %add3A_288 = arith.addf %get3A_286, %add3A_287 : vector<16x384xf32>
    %concatenate3A_289 = tpu.concatenate %add3A_288, %add3A_288, %add3A_288, %add3A_288, %add3A_288, %add3A_288, %add3A_288, %add3A_288 in 0 : vector<16x384xf32>, vector<16x384xf32>, vector<16x384xf32>, vector<16x384xf32>, vector<16x384xf32>, vector<16x384xf32>, vector<16x384xf32>, vector<16x384xf32> -> vector<128x384xf32>
    %get3A_290 = arith.constant 5 : index
    %get3A_291 = memref.load %arg1[%get3A_290] : memref<16xi32, #tpu.memory_space<smem>>
    %add3A_292 = arith.constant 8 : i32
    %add3A_293 = arith.addi %get3A_291, %add3A_292 : i32
    %sub3A_294 = arith.constant 1 : i32
    %sub3A_295 = arith.subi %add3A_293, %sub3A_294 : i32
    %jit3A_296 = arith.constant 8 : i32
    %div3A_297 = arith.divsi %sub3A_295, %jit3A_296 : i32
    %sign3A_298 = arith.constant 0 : i32
    %sign3A_299 = arith.cmpi sgt, %sub3A_295, %sign3A_298 : i32
    %sign3A_300 = arith.extui %sign3A_299 : i1 to i32
    %sign3A_301 = arith.constant 0 : i32
    %sign3A_302 = arith.cmpi slt, %sub3A_295, %sign3A_301 : i32
    %sign3A_303 = arith.extui %sign3A_302 : i1 to i32
    %sign3A_304 = arith.subi %sign3A_300, %sign3A_303 : i32
    %sign3A_305 = arith.constant 0 : i32
    %sign3A_306 = arith.cmpi sgt, %jit3A_296, %sign3A_305 : i32
    %sign3A_307 = arith.extui %sign3A_306 : i1 to i32
    %sign3A_308 = arith.constant 0 : i32
    %sign3A_309 = arith.cmpi slt, %jit3A_296, %sign3A_308 : i32
    %sign3A_310 = arith.extui %sign3A_309 : i1 to i32
    %sign3A_311 = arith.subi %sign3A_307, %sign3A_310 : i32
    %ne3A_312 = arith.cmpi ne, %sign3A_304, %sign3A_311 : i32
    %rem3A_313 = arith.remsi %sub3A_295, %jit3A_296 : i32
    %ne3A_314 = arith.constant 0 : i32
    %ne3A_315 = arith.cmpi ne, %rem3A_313, %ne3A_314 : i32
    %and3A_316 = arith.andi %ne3A_312, %ne3A_315 : i1
    %sub3A_317 = arith.constant 1 : i32
    %sub3A_318 = arith.subi %div3A_297, %sub3A_317 : i32
    %select_n3A_319 = arith.select %and3A_316, %sub3A_318, %div3A_297 : i32
    %broadcast_in_dim3A_320 = arith.constant 0.000000e+00 : f32
    %broadcast_in_dim3A_321 = vector.broadcast %broadcast_in_dim3A_320 : f32 to vector<1x384xf32>
    %while3A_322 = arith.constant 0 : i32
    %while3A_323 = arith.subi %select_n3A_319, %while3A_322 : i32
    %while3A_324 = arith.addi %while3A_322, %while3A_323 : i32
    %while3A_325 = arith.constant 1 : i32
    %while3A_326 = arith.divsi %while3A_323, %while3A_325 : i32
    %while3A_327 = arith.muli %while3A_326, %while3A_325 : i32
    %while3A_328 = arith.addi %while3A_322, %while3A_327 : i32
    %while3A_329 = arith.constant 1 : i32
    %while3A_330 = scf.for %while3A_983 = %while3A_322 to %while3A_328 step %while3A_329 iter_args(%while3A_984 = %broadcast_in_dim3A_321) -> (vector<1x384xf32>)  : i32 {
      %mul3A_985 = arith.constant 128 : i32
      %mul3A_986 = arith.muli %while3A_983, %mul3A_985 : i32
      %get3A_987 = arith.constant 5 : index
      %get3A_988 = arith.index_cast %mul3A_986 : i32 to index
      %get3A_989 = arith.constant 0 : index
      %get3A_990 = vector.load %arg2[%get3A_987, %get3A_988, %get3A_989] : memref<16x768x96xbf16, #tpu.memory_space<vmem>>, vector<1x128x96xbf16>
      %get3A_991 = vector.shape_cast %get3A_990 : vector<1x128x96xbf16> to vector<128x96xbf16>
      %dot_general3A_992 = arith.constant dense<0.000000e+00> : vector<128x384xf32>
      %dot_general3A_993 = tpu.matmul %get3A_991, %get3A_1, %dot_general3A_992 {dimension_numbers = #tpu.dot_dimension_numbers<[1], [0], [0], [1], [0, 0, 1, 1], [], []>, transpose_lhs_hint = false} : vector<128x96xbf16>, vector<96x384xbf16>, vector<128x384xf32> -> vector<128x384xf32>
      %add3A_994 = arith.addf %dot_general3A_993, %concatenate3A_289 : vector<128x384xf32>
      %integer_pow3A_995 = arith.mulf %add3A_994, %add3A_994 : vector<128x384xf32>
      %integer_pow3A_996 = arith.mulf %add3A_994, %integer_pow3A_995 : vector<128x384xf32>
      %mul3A_997 = arith.constant 4.471500e-02 : f32
      %mul3A_998 = vector.broadcast %mul3A_997 : f32 to vector<128x384xf32>
      %mul3A_999 = arith.mulf %mul3A_998, %integer_pow3A_996 : vector<128x384xf32>
      %add3A_1000 = arith.addf %add3A_994, %mul3A_999 : vector<128x384xf32>
      %mul3A_1001 = arith.constant 0.797884583 : f32
      %mul3A_1002 = vector.broadcast %mul3A_1001 : f32 to vector<128x384xf32>
      %mul3A_1003 = arith.mulf %mul3A_1002, %add3A_1000 : vector<128x384xf32>
      %tanh3A_1004 = math.tanh %mul3A_1003 : vector<128x384xf32>
      %add3A_1005 = arith.constant 1.000000e+00 : f32
      %add3A_1006 = vector.broadcast %add3A_1005 : f32 to vector<128x384xf32>
      %add3A_1007 = arith.addf %add3A_1006, %tanh3A_1004 : vector<128x384xf32>
      %mul3A_1008 = arith.constant 5.000000e-01 : f32
      %mul3A_1009 = vector.broadcast %mul3A_1008 : f32 to vector<128x384xf32>
      %mul3A_1010 = arith.mulf %mul3A_1009, %add3A_1007 : vector<128x384xf32>
      %mul3A_1011 = arith.mulf %add3A_994, %mul3A_1010 : vector<128x384xf32>
      %mul3A_1012 = arith.constant 8 : i32
      %mul3A_1013 = arith.muli %while3A_983, %mul3A_1012 : i32
      %sub3A_1014 = arith.subi %get3A_291, %mul3A_1013 : i32
      %mul3A_1015 = arith.constant 16 : i32
      %mul3A_1016 = arith.muli %sub3A_1014, %mul3A_1015 : i32
      %lt3A = vector.broadcast %mul3A_1016 : i32 to vector<1x128xi32>
      %lt3A_1017 = arith.cmpi slt, %iota3A, %lt3A : vector<1x128xi32>
      %convert_element_type3A_1018 = arith.extui %lt3A_1017 : vector<1x128xi1> to vector<1x128xi32>
      %convert_element_type3A_1019 = arith.sitofp %convert_element_type3A_1018 : vector<1x128xi32> to vector<1x128xf32>
      %convert_element_type3A_1020 = arith.truncf %convert_element_type3A_1019 : vector<1x128xf32> to vector<1x128xbf16>
      %convert_element_type3A_1021 = arith.truncf %mul3A_1011 : vector<128x384xf32> to vector<128x384xbf16>
      %dot_general3A_1022 = arith.constant dense<0.000000e+00> : vector<1x384xf32>
      %dot_general3A_1023 = tpu.matmul %convert_element_type3A_1020, %convert_element_type3A_1021, %dot_general3A_1022 {dimension_numbers = #tpu.dot_dimension_numbers<[1], [0], [0], [1], [0, 0, 1, 1], [], []>, transpose_lhs_hint = false} : vector<1x128xbf16>, vector<128x384xbf16>, vector<1x384xf32> -> vector<1x384xf32>
      %add3A_1024 = arith.addf %while3A_984, %dot_general3A_1023 : vector<1x384xf32>
      scf.yield %add3A_1024 : vector<1x384xf32>
    }
    %while3A_331 = arith.constant 1 : i32
    %while3A_332 = scf.for %while3A_983 = %while3A_328 to %while3A_324 step %while3A_331 iter_args(%while3A_984 = %while3A_330) -> (vector<1x384xf32>)  : i32 {
      %mul3A_985 = arith.constant 128 : i32
      %mul3A_986 = arith.muli %while3A_983, %mul3A_985 : i32
      %get3A_987 = arith.constant 5 : index
      %get3A_988 = arith.index_cast %mul3A_986 : i32 to index
      %get3A_989 = arith.constant 0 : index
      %get3A_990 = vector.load %arg2[%get3A_987, %get3A_988, %get3A_989] : memref<16x768x96xbf16, #tpu.memory_space<vmem>>, vector<1x128x96xbf16>
      %get3A_991 = vector.shape_cast %get3A_990 : vector<1x128x96xbf16> to vector<128x96xbf16>
      %dot_general3A_992 = arith.constant dense<0.000000e+00> : vector<128x384xf32>
      %dot_general3A_993 = tpu.matmul %get3A_991, %get3A_1, %dot_general3A_992 {dimension_numbers = #tpu.dot_dimension_numbers<[1], [0], [0], [1], [0, 0, 1, 1], [], []>, transpose_lhs_hint = false} : vector<128x96xbf16>, vector<96x384xbf16>, vector<128x384xf32> -> vector<128x384xf32>
      %add3A_994 = arith.addf %dot_general3A_993, %concatenate3A_289 : vector<128x384xf32>
      %integer_pow3A_995 = arith.mulf %add3A_994, %add3A_994 : vector<128x384xf32>
      %integer_pow3A_996 = arith.mulf %add3A_994, %integer_pow3A_995 : vector<128x384xf32>
      %mul3A_997 = arith.constant 4.471500e-02 : f32
      %mul3A_998 = vector.broadcast %mul3A_997 : f32 to vector<128x384xf32>
      %mul3A_999 = arith.mulf %mul3A_998, %integer_pow3A_996 : vector<128x384xf32>
      %add3A_1000 = arith.addf %add3A_994, %mul3A_999 : vector<128x384xf32>
      %mul3A_1001 = arith.constant 0.797884583 : f32
      %mul3A_1002 = vector.broadcast %mul3A_1001 : f32 to vector<128x384xf32>
      %mul3A_1003 = arith.mulf %mul3A_1002, %add3A_1000 : vector<128x384xf32>
      %tanh3A_1004 = math.tanh %mul3A_1003 : vector<128x384xf32>
      %add3A_1005 = arith.constant 1.000000e+00 : f32
      %add3A_1006 = vector.broadcast %add3A_1005 : f32 to vector<128x384xf32>
      %add3A_1007 = arith.addf %add3A_1006, %tanh3A_1004 : vector<128x384xf32>
      %mul3A_1008 = arith.constant 5.000000e-01 : f32
      %mul3A_1009 = vector.broadcast %mul3A_1008 : f32 to vector<128x384xf32>
      %mul3A_1010 = arith.mulf %mul3A_1009, %add3A_1007 : vector<128x384xf32>
      %mul3A_1011 = arith.mulf %add3A_994, %mul3A_1010 : vector<128x384xf32>
      %mul3A_1012 = arith.constant 8 : i32
      %mul3A_1013 = arith.muli %while3A_983, %mul3A_1012 : i32
      %sub3A_1014 = arith.subi %get3A_291, %mul3A_1013 : i32
      %mul3A_1015 = arith.constant 16 : i32
      %mul3A_1016 = arith.muli %sub3A_1014, %mul3A_1015 : i32
      %lt3A = vector.broadcast %mul3A_1016 : i32 to vector<1x128xi32>
      %lt3A_1017 = arith.cmpi slt, %iota3A, %lt3A : vector<1x128xi32>
      %convert_element_type3A_1018 = arith.extui %lt3A_1017 : vector<1x128xi1> to vector<1x128xi32>
      %convert_element_type3A_1019 = arith.sitofp %convert_element_type3A_1018 : vector<1x128xi32> to vector<1x128xf32>
      %convert_element_type3A_1020 = arith.truncf %convert_element_type3A_1019 : vector<1x128xf32> to vector<1x128xbf16>
      %convert_element_type3A_1021 = arith.truncf %mul3A_1011 : vector<128x384xf32> to vector<128x384xbf16>
      %dot_general3A_1022 = arith.constant dense<0.000000e+00> : vector<1x384xf32>
      %dot_general3A_1023 = tpu.matmul %convert_element_type3A_1020, %convert_element_type3A_1021, %dot_general3A_1022 {dimension_numbers = #tpu.dot_dimension_numbers<[1], [0], [0], [1], [0, 0, 1, 1], [], []>, transpose_lhs_hint = false} : vector<1x128xbf16>, vector<128x384xbf16>, vector<1x384xf32> -> vector<1x384xf32>
      %add3A_1024 = arith.addf %while3A_984, %dot_general3A_1023 : vector<1x384xf32>
      scf.yield %add3A_1024 : vector<1x384xf32>
    }
    %mul3A_333 = arith.constant 16 : i32
    %mul3A_334 = arith.muli %get3A_291, %mul3A_333 : i32
    %max3A_335 = arith.constant 1 : i32
    %max3A_336 = arith.maxsi %mul3A_334, %max3A_335 : i32
    %convert_element_type3A_337 = arith.sitofp %max3A_336 : i32 to f32
    %div3A_338 = vector.broadcast %convert_element_type3A_337 : f32 to vector<1x384xf32>
    %div3A_339 = arith.divf %while3A_332, %div3A_338 : vector<1x384xf32>
    %swap3A_340 = arith.constant 5 : index
    %swap3A_341 = arith.constant 0 : index
    %swap3A_342 = vector.load %arg11[%swap3A_340, %swap3A_341] : memref<16x384xf32, #tpu.memory_space<vmem>>, vector<1x384xf32>
    tpu.vector_store %arg11[%swap3A_340, %swap3A_341], %div3A_339 {strides = array<i32>} : memref<16x384xf32, #tpu.memory_space<vmem>>, vector<1x384xf32>,
    %get3A_343 = arith.constant 96 : index
    %get3A_344 = arith.constant 0 : index
    %get3A_345 = vector.load %arg5[%get3A_343, %get3A_344] : memref<256x384xf32, #tpu.memory_space<vmem>>, vector<16x384xf32>
    %add3A_346 = vector.broadcast %get3A_4 : vector<1x384xf32> to vector<16x384xf32>
    %add3A_347 = arith.addf %get3A_345, %add3A_346 : vector<16x384xf32>
    %concatenate3A_348 = tpu.concatenate %add3A_347, %add3A_347, %add3A_347, %add3A_347, %add3A_347, %add3A_347, %add3A_347, %add3A_347 in 0 : vector<16x384xf32>, vector<16x384xf32>, vector<16x384xf32>, vector<16x384xf32>, vector<16x384xf32>, vector<16x384xf32>, vector<16x384xf32>, vector<16x384xf32> -> vector<128x384xf32>
    %get3A_349 = arith.constant 6 : index
    %get3A_350 = memref.load %arg1[%get3A_349] : memref<16xi32, #tpu.memory_space<smem>>
    %add3A_351 = arith.constant 8 : i32
    %add3A_352 = arith.addi %get3A_350, %add3A_351 : i32
    %sub3A_353 = arith.constant 1 : i32
    %sub3A_354 = arith.subi %add3A_352, %sub3A_353 : i32
    %jit3A_355 = arith.constant 8 : i32
    %div3A_356 = arith.divsi %sub3A_354, %jit3A_355 : i32
    %sign3A_357 = arith.constant 0 : i32
    %sign3A_358 = arith.cmpi sgt, %sub3A_354, %sign3A_357 : i32
    %sign3A_359 = arith.extui %sign3A_358 : i1 to i32
    %sign3A_360 = arith.constant 0 : i32
    %sign3A_361 = arith.cmpi slt, %sub3A_354, %sign3A_360 : i32
    %sign3A_362 = arith.extui %sign3A_361 : i1 to i32
    %sign3A_363 = arith.subi %sign3A_359, %sign3A_362 : i32
    %sign3A_364 = arith.constant 0 : i32
    %sign3A_365 = arith.cmpi sgt, %jit3A_355, %sign3A_364 : i32
    %sign3A_366 = arith.extui %sign3A_365 : i1 to i32
    %sign3A_367 = arith.constant 0 : i32
    %sign3A_368 = arith.cmpi slt, %jit3A_355, %sign3A_367 : i32
    %sign3A_369 = arith.extui %sign3A_368 : i1 to i32
    %sign3A_370 = arith.subi %sign3A_366, %sign3A_369 : i32
    %ne3A_371 = arith.cmpi ne, %sign3A_363, %sign3A_370 : i32
    %rem3A_372 = arith.remsi %sub3A_354, %jit3A_355 : i32
    %ne3A_373 = arith.constant 0 : i32
    %ne3A_374 = arith.cmpi ne, %rem3A_372, %ne3A_373 : i32
    %and3A_375 = arith.andi %ne3A_371, %ne3A_374 : i1
    %sub3A_376 = arith.constant 1 : i32
    %sub3A_377 = arith.subi %div3A_356, %sub3A_376 : i32
    %select_n3A_378 = arith.select %and3A_375, %sub3A_377, %div3A_356 : i32
    %broadcast_in_dim3A_379 = arith.constant 0.000000e+00 : f32
    %broadcast_in_dim3A_380 = vector.broadcast %broadcast_in_dim3A_379 : f32 to vector<1x384xf32>
    %while3A_381 = arith.constant 0 : i32
    %while3A_382 = arith.subi %select_n3A_378, %while3A_381 : i32
    %while3A_383 = arith.addi %while3A_381, %while3A_382 : i32
    %while3A_384 = arith.constant 1 : i32
    %while3A_385 = arith.divsi %while3A_382, %while3A_384 : i32
    %while3A_386 = arith.muli %while3A_385, %while3A_384 : i32
    %while3A_387 = arith.addi %while3A_381, %while3A_386 : i32
    %while3A_388 = arith.constant 1 : i32
    %while3A_389 = scf.for %while3A_983 = %while3A_381 to %while3A_387 step %while3A_388 iter_args(%while3A_984 = %broadcast_in_dim3A_380) -> (vector<1x384xf32>)  : i32 {
      %mul3A_985 = arith.constant 128 : i32
      %mul3A_986 = arith.muli %while3A_983, %mul3A_985 : i32
      %get3A_987 = arith.constant 6 : index
      %get3A_988 = arith.index_cast %mul3A_986 : i32 to index
      %get3A_989 = arith.constant 0 : index
      %get3A_990 = vector.load %arg2[%get3A_987, %get3A_988, %get3A_989] : memref<16x768x96xbf16, #tpu.memory_space<vmem>>, vector<1x128x96xbf16>
      %get3A_991 = vector.shape_cast %get3A_990 : vector<1x128x96xbf16> to vector<128x96xbf16>
      %dot_general3A_992 = arith.constant dense<0.000000e+00> : vector<128x384xf32>
      %dot_general3A_993 = tpu.matmul %get3A_991, %get3A_1, %dot_general3A_992 {dimension_numbers = #tpu.dot_dimension_numbers<[1], [0], [0], [1], [0, 0, 1, 1], [], []>, transpose_lhs_hint = false} : vector<128x96xbf16>, vector<96x384xbf16>, vector<128x384xf32> -> vector<128x384xf32>
      %add3A_994 = arith.addf %dot_general3A_993, %concatenate3A_348 : vector<128x384xf32>
      %integer_pow3A_995 = arith.mulf %add3A_994, %add3A_994 : vector<128x384xf32>
      %integer_pow3A_996 = arith.mulf %add3A_994, %integer_pow3A_995 : vector<128x384xf32>
      %mul3A_997 = arith.constant 4.471500e-02 : f32
      %mul3A_998 = vector.broadcast %mul3A_997 : f32 to vector<128x384xf32>
      %mul3A_999 = arith.mulf %mul3A_998, %integer_pow3A_996 : vector<128x384xf32>
      %add3A_1000 = arith.addf %add3A_994, %mul3A_999 : vector<128x384xf32>
      %mul3A_1001 = arith.constant 0.797884583 : f32
      %mul3A_1002 = vector.broadcast %mul3A_1001 : f32 to vector<128x384xf32>
      %mul3A_1003 = arith.mulf %mul3A_1002, %add3A_1000 : vector<128x384xf32>
      %tanh3A_1004 = math.tanh %mul3A_1003 : vector<128x384xf32>
      %add3A_1005 = arith.constant 1.000000e+00 : f32
      %add3A_1006 = vector.broadcast %add3A_1005 : f32 to vector<128x384xf32>
      %add3A_1007 = arith.addf %add3A_1006, %tanh3A_1004 : vector<128x384xf32>
      %mul3A_1008 = arith.constant 5.000000e-01 : f32
      %mul3A_1009 = vector.broadcast %mul3A_1008 : f32 to vector<128x384xf32>
      %mul3A_1010 = arith.mulf %mul3A_1009, %add3A_1007 : vector<128x384xf32>
      %mul3A_1011 = arith.mulf %add3A_994, %mul3A_1010 : vector<128x384xf32>
      %mul3A_1012 = arith.constant 8 : i32
      %mul3A_1013 = arith.muli %while3A_983, %mul3A_1012 : i32
      %sub3A_1014 = arith.subi %get3A_350, %mul3A_1013 : i32
      %mul3A_1015 = arith.constant 16 : i32
      %mul3A_1016 = arith.muli %sub3A_1014, %mul3A_1015 : i32
      %lt3A = vector.broadcast %mul3A_1016 : i32 to vector<1x128xi32>
      %lt3A_1017 = arith.cmpi slt, %iota3A, %lt3A : vector<1x128xi32>
      %convert_element_type3A_1018 = arith.extui %lt3A_1017 : vector<1x128xi1> to vector<1x128xi32>
      %convert_element_type3A_1019 = arith.sitofp %convert_element_type3A_1018 : vector<1x128xi32> to vector<1x128xf32>
      %convert_element_type3A_1020 = arith.truncf %convert_element_type3A_1019 : vector<1x128xf32> to vector<1x128xbf16>
      %convert_element_type3A_1021 = arith.truncf %mul3A_1011 : vector<128x384xf32> to vector<128x384xbf16>
      %dot_general3A_1022 = arith.constant dense<0.000000e+00> : vector<1x384xf32>
      %dot_general3A_1023 = tpu.matmul %convert_element_type3A_1020, %convert_element_type3A_1021, %dot_general3A_1022 {dimension_numbers = #tpu.dot_dimension_numbers<[1], [0], [0], [1], [0, 0, 1, 1], [], []>, transpose_lhs_hint = false} : vector<1x128xbf16>, vector<128x384xbf16>, vector<1x384xf32> -> vector<1x384xf32>
      %add3A_1024 = arith.addf %while3A_984, %dot_general3A_1023 : vector<1x384xf32>
      scf.yield %add3A_1024 : vector<1x384xf32>
    }
    %while3A_390 = arith.constant 1 : i32
    %while3A_391 = scf.for %while3A_983 = %while3A_387 to %while3A_383 step %while3A_390 iter_args(%while3A_984 = %while3A_389) -> (vector<1x384xf32>)  : i32 {
      %mul3A_985 = arith.constant 128 : i32
      %mul3A_986 = arith.muli %while3A_983, %mul3A_985 : i32
      %get3A_987 = arith.constant 6 : index
      %get3A_988 = arith.index_cast %mul3A_986 : i32 to index
      %get3A_989 = arith.constant 0 : index
      %get3A_990 = vector.load %arg2[%get3A_987, %get3A_988, %get3A_989] : memref<16x768x96xbf16, #tpu.memory_space<vmem>>, vector<1x128x96xbf16>
      %get3A_991 = vector.shape_cast %get3A_990 : vector<1x128x96xbf16> to vector<128x96xbf16>
      %dot_general3A_992 = arith.constant dense<0.000000e+00> : vector<128x384xf32>
      %dot_general3A_993 = tpu.matmul %get3A_991, %get3A_1, %dot_general3A_992 {dimension_numbers = #tpu.dot_dimension_numbers<[1], [0], [0], [1], [0, 0, 1, 1], [], []>, transpose_lhs_hint = false} : vector<128x96xbf16>, vector<96x384xbf16>, vector<128x384xf32> -> vector<128x384xf32>
      %add3A_994 = arith.addf %dot_general3A_993, %concatenate3A_348 : vector<128x384xf32>
      %integer_pow3A_995 = arith.mulf %add3A_994, %add3A_994 : vector<128x384xf32>
      %integer_pow3A_996 = arith.mulf %add3A_994, %integer_pow3A_995 : vector<128x384xf32>
      %mul3A_997 = arith.constant 4.471500e-02 : f32
      %mul3A_998 = vector.broadcast %mul3A_997 : f32 to vector<128x384xf32>
      %mul3A_999 = arith.mulf %mul3A_998, %integer_pow3A_996 : vector<128x384xf32>
      %add3A_1000 = arith.addf %add3A_994, %mul3A_999 : vector<128x384xf32>
      %mul3A_1001 = arith.constant 0.797884583 : f32
      %mul3A_1002 = vector.broadcast %mul3A_1001 : f32 to vector<128x384xf32>
      %mul3A_1003 = arith.mulf %mul3A_1002, %add3A_1000 : vector<128x384xf32>
      %tanh3A_1004 = math.tanh %mul3A_1003 : vector<128x384xf32>
      %add3A_1005 = arith.constant 1.000000e+00 : f32
      %add3A_1006 = vector.broadcast %add3A_1005 : f32 to vector<128x384xf32>
      %add3A_1007 = arith.addf %add3A_1006, %tanh3A_1004 : vector<128x384xf32>
      %mul3A_1008 = arith.constant 5.000000e-01 : f32
      %mul3A_1009 = vector.broadcast %mul3A_1008 : f32 to vector<128x384xf32>
      %mul3A_1010 = arith.mulf %mul3A_1009, %add3A_1007 : vector<128x384xf32>
      %mul3A_1011 = arith.mulf %add3A_994, %mul3A_1010 : vector<128x384xf32>
      %mul3A_1012 = arith.constant 8 : i32
      %mul3A_1013 = arith.muli %while3A_983, %mul3A_1012 : i32
      %sub3A_1014 = arith.subi %get3A_350, %mul3A_1013 : i32
      %mul3A_1015 = arith.constant 16 : i32
      %mul3A_1016 = arith.muli %sub3A_1014, %mul3A_1015 : i32
      %lt3A = vector.broadcast %mul3A_1016 : i32 to vector<1x128xi32>
      %lt3A_1017 = arith.cmpi slt, %iota3A, %lt3A : vector<1x128xi32>
      %convert_element_type3A_1018 = arith.extui %lt3A_1017 : vector<1x128xi1> to vector<1x128xi32>
      %convert_element_type3A_1019 = arith.sitofp %convert_element_type3A_1018 : vector<1x128xi32> to vector<1x128xf32>
      %convert_element_type3A_1020 = arith.truncf %convert_element_type3A_1019 : vector<1x128xf32> to vector<1x128xbf16>
      %convert_element_type3A_1021 = arith.truncf %mul3A_1011 : vector<128x384xf32> to vector<128x384xbf16>
      %dot_general3A_1022 = arith.constant dense<0.000000e+00> : vector<1x384xf32>
      %dot_general3A_1023 = tpu.matmul %convert_element_type3A_1020, %convert_element_type3A_1021, %dot_general3A_1022 {dimension_numbers = #tpu.dot_dimension_numbers<[1], [0], [0], [1], [0, 0, 1, 1], [], []>, transpose_lhs_hint = false} : vector<1x128xbf16>, vector<128x384xbf16>, vector<1x384xf32> -> vector<1x384xf32>
      %add3A_1024 = arith.addf %while3A_984, %dot_general3A_1023 : vector<1x384xf32>
      scf.yield %add3A_1024 : vector<1x384xf32>
    }
    %mul3A_392 = arith.constant 16 : i32
    %mul3A_393 = arith.muli %get3A_350, %mul3A_392 : i32
    %max3A_394 = arith.constant 1 : i32
    %max3A_395 = arith.maxsi %mul3A_393, %max3A_394 : i32
    %convert_element_type3A_396 = arith.sitofp %max3A_395 : i32 to f32
    %div3A_397 = vector.broadcast %convert_element_type3A_396 : f32 to vector<1x384xf32>
    %div3A_398 = arith.divf %while3A_391, %div3A_397 : vector<1x384xf32>
    %swap3A_399 = arith.constant 6 : index
    %swap3A_400 = arith.constant 0 : index
    %swap3A_401 = vector.load %arg11[%swap3A_399, %swap3A_400] : memref<16x384xf32, #tpu.memory_space<vmem>>, vector<1x384xf32>
    tpu.vector_store %arg11[%swap3A_399, %swap3A_400], %div3A_398 {strides = array<i32>} : memref<16x384xf32, #tpu.memory_space<vmem>>, vector<1x384xf32>,
    %get3A_402 = arith.constant 112 : index
    %get3A_403 = arith.constant 0 : index
    %get3A_404 = vector.load %arg5[%get3A_402, %get3A_403] : memref<256x384xf32, #tpu.memory_space<vmem>>, vector<16x384xf32>
    %add3A_405 = vector.broadcast %get3A_4 : vector<1x384xf32> to vector<16x384xf32>
    %add3A_406 = arith.addf %get3A_404, %add3A_405 : vector<16x384xf32>
    %concatenate3A_407 = tpu.concatenate %add3A_406, %add3A_406, %add3A_406, %add3A_406, %add3A_406, %add3A_406, %add3A_406, %add3A_406 in 0 : vector<16x384xf32>, vector<16x384xf32>, vector<16x384xf32>, vector<16x384xf32>, vector<16x384xf32>, vector<16x384xf32>, vector<16x384xf32>, vector<16x384xf32> -> vector<128x384xf32>
    %get3A_408 = arith.constant 7 : index
    %get3A_409 = memref.load %arg1[%get3A_408] : memref<16xi32, #tpu.memory_space<smem>>
    %add3A_410 = arith.constant 8 : i32
    %add3A_411 = arith.addi %get3A_409, %add3A_410 : i32
    %sub3A_412 = arith.constant 1 : i32
    %sub3A_413 = arith.subi %add3A_411, %sub3A_412 : i32
    %jit3A_414 = arith.constant 8 : i32
    %div3A_415 = arith.divsi %sub3A_413, %jit3A_414 : i32
    %sign3A_416 = arith.constant 0 : i32
    %sign3A_417 = arith.cmpi sgt, %sub3A_413, %sign3A_416 : i32
    %sign3A_418 = arith.extui %sign3A_417 : i1 to i32
    %sign3A_419 = arith.constant 0 : i32
    %sign3A_420 = arith.cmpi slt, %sub3A_413, %sign3A_419 : i32
    %sign3A_421 = arith.extui %sign3A_420 : i1 to i32
    %sign3A_422 = arith.subi %sign3A_418, %sign3A_421 : i32
    %sign3A_423 = arith.constant 0 : i32
    %sign3A_424 = arith.cmpi sgt, %jit3A_414, %sign3A_423 : i32
    %sign3A_425 = arith.extui %sign3A_424 : i1 to i32
    %sign3A_426 = arith.constant 0 : i32
    %sign3A_427 = arith.cmpi slt, %jit3A_414, %sign3A_426 : i32
    %sign3A_428 = arith.extui %sign3A_427 : i1 to i32
    %sign3A_429 = arith.subi %sign3A_425, %sign3A_428 : i32
    %ne3A_430 = arith.cmpi ne, %sign3A_422, %sign3A_429 : i32
    %rem3A_431 = arith.remsi %sub3A_413, %jit3A_414 : i32
    %ne3A_432 = arith.constant 0 : i32
    %ne3A_433 = arith.cmpi ne, %rem3A_431, %ne3A_432 : i32
    %and3A_434 = arith.andi %ne3A_430, %ne3A_433 : i1
    %sub3A_435 = arith.constant 1 : i32
    %sub3A_436 = arith.subi %div3A_415, %sub3A_435 : i32
    %select_n3A_437 = arith.select %and3A_434, %sub3A_436, %div3A_415 : i32
    %broadcast_in_dim3A_438 = arith.constant 0.000000e+00 : f32
    %broadcast_in_dim3A_439 = vector.broadcast %broadcast_in_dim3A_438 : f32 to vector<1x384xf32>
    %while3A_440 = arith.constant 0 : i32
    %while3A_441 = arith.subi %select_n3A_437, %while3A_440 : i32
    %while3A_442 = arith.addi %while3A_440, %while3A_441 : i32
    %while3A_443 = arith.constant 1 : i32
    %while3A_444 = arith.divsi %while3A_441, %while3A_443 : i32
    %while3A_445 = arith.muli %while3A_444, %while3A_443 : i32
    %while3A_446 = arith.addi %while3A_440, %while3A_445 : i32
    %while3A_447 = arith.constant 1 : i32
    %while3A_448 = scf.for %while3A_983 = %while3A_440 to %while3A_446 step %while3A_447 iter_args(%while3A_984 = %broadcast_in_dim3A_439) -> (vector<1x384xf32>)  : i32 {
      %mul3A_985 = arith.constant 128 : i32
      %mul3A_986 = arith.muli %while3A_983, %mul3A_985 : i32
      %get3A_987 = arith.constant 7 : index
      %get3A_988 = arith.index_cast %mul3A_986 : i32 to index
      %get3A_989 = arith.constant 0 : index
      %get3A_990 = vector.load %arg2[%get3A_987, %get3A_988, %get3A_989] : memref<16x768x96xbf16, #tpu.memory_space<vmem>>, vector<1x128x96xbf16>
      %get3A_991 = vector.shape_cast %get3A_990 : vector<1x128x96xbf16> to vector<128x96xbf16>
      %dot_general3A_992 = arith.constant dense<0.000000e+00> : vector<128x384xf32>
      %dot_general3A_993 = tpu.matmul %get3A_991, %get3A_1, %dot_general3A_992 {dimension_numbers = #tpu.dot_dimension_numbers<[1], [0], [0], [1], [0, 0, 1, 1], [], []>, transpose_lhs_hint = false} : vector<128x96xbf16>, vector<96x384xbf16>, vector<128x384xf32> -> vector<128x384xf32>
      %add3A_994 = arith.addf %dot_general3A_993, %concatenate3A_407 : vector<128x384xf32>
      %integer_pow3A_995 = arith.mulf %add3A_994, %add3A_994 : vector<128x384xf32>
      %integer_pow3A_996 = arith.mulf %add3A_994, %integer_pow3A_995 : vector<128x384xf32>
      %mul3A_997 = arith.constant 4.471500e-02 : f32
      %mul3A_998 = vector.broadcast %mul3A_997 : f32 to vector<128x384xf32>
      %mul3A_999 = arith.mulf %mul3A_998, %integer_pow3A_996 : vector<128x384xf32>
      %add3A_1000 = arith.addf %add3A_994, %mul3A_999 : vector<128x384xf32>
      %mul3A_1001 = arith.constant 0.797884583 : f32
      %mul3A_1002 = vector.broadcast %mul3A_1001 : f32 to vector<128x384xf32>
      %mul3A_1003 = arith.mulf %mul3A_1002, %add3A_1000 : vector<128x384xf32>
      %tanh3A_1004 = math.tanh %mul3A_1003 : vector<128x384xf32>
      %add3A_1005 = arith.constant 1.000000e+00 : f32
      %add3A_1006 = vector.broadcast %add3A_1005 : f32 to vector<128x384xf32>
      %add3A_1007 = arith.addf %add3A_1006, %tanh3A_1004 : vector<128x384xf32>
      %mul3A_1008 = arith.constant 5.000000e-01 : f32
      %mul3A_1009 = vector.broadcast %mul3A_1008 : f32 to vector<128x384xf32>
      %mul3A_1010 = arith.mulf %mul3A_1009, %add3A_1007 : vector<128x384xf32>
      %mul3A_1011 = arith.mulf %add3A_994, %mul3A_1010 : vector<128x384xf32>
      %mul3A_1012 = arith.constant 8 : i32
      %mul3A_1013 = arith.muli %while3A_983, %mul3A_1012 : i32
      %sub3A_1014 = arith.subi %get3A_409, %mul3A_1013 : i32
      %mul3A_1015 = arith.constant 16 : i32
      %mul3A_1016 = arith.muli %sub3A_1014, %mul3A_1015 : i32
      %lt3A = vector.broadcast %mul3A_1016 : i32 to vector<1x128xi32>
      %lt3A_1017 = arith.cmpi slt, %iota3A, %lt3A : vector<1x128xi32>
      %convert_element_type3A_1018 = arith.extui %lt3A_1017 : vector<1x128xi1> to vector<1x128xi32>
      %convert_element_type3A_1019 = arith.sitofp %convert_element_type3A_1018 : vector<1x128xi32> to vector<1x128xf32>
      %convert_element_type3A_1020 = arith.truncf %convert_element_type3A_1019 : vector<1x128xf32> to vector<1x128xbf16>
      %convert_element_type3A_1021 = arith.truncf %mul3A_1011 : vector<128x384xf32> to vector<128x384xbf16>
      %dot_general3A_1022 = arith.constant dense<0.000000e+00> : vector<1x384xf32>
      %dot_general3A_1023 = tpu.matmul %convert_element_type3A_1020, %convert_element_type3A_1021, %dot_general3A_1022 {dimension_numbers = #tpu.dot_dimension_numbers<[1], [0], [0], [1], [0, 0, 1, 1], [], []>, transpose_lhs_hint = false} : vector<1x128xbf16>, vector<128x384xbf16>, vector<1x384xf32> -> vector<1x384xf32>
      %add3A_1024 = arith.addf %while3A_984, %dot_general3A_1023 : vector<1x384xf32>
      scf.yield %add3A_1024 : vector<1x384xf32>
    }
    %while3A_449 = arith.constant 1 : i32
    %while3A_450 = scf.for %while3A_983 = %while3A_446 to %while3A_442 step %while3A_449 iter_args(%while3A_984 = %while3A_448) -> (vector<1x384xf32>)  : i32 {
      %mul3A_985 = arith.constant 128 : i32
      %mul3A_986 = arith.muli %while3A_983, %mul3A_985 : i32
      %get3A_987 = arith.constant 7 : index
      %get3A_988 = arith.index_cast %mul3A_986 : i32 to index
      %get3A_989 = arith.constant 0 : index
      %get3A_990 = vector.load %arg2[%get3A_987, %get3A_988, %get3A_989] : memref<16x768x96xbf16, #tpu.memory_space<vmem>>, vector<1x128x96xbf16>
      %get3A_991 = vector.shape_cast %get3A_990 : vector<1x128x96xbf16> to vector<128x96xbf16>
      %dot_general3A_992 = arith.constant dense<0.000000e+00> : vector<128x384xf32>
      %dot_general3A_993 = tpu.matmul %get3A_991, %get3A_1, %dot_general3A_992 {dimension_numbers = #tpu.dot_dimension_numbers<[1], [0], [0], [1], [0, 0, 1, 1], [], []>, transpose_lhs_hint = false} : vector<128x96xbf16>, vector<96x384xbf16>, vector<128x384xf32> -> vector<128x384xf32>
      %add3A_994 = arith.addf %dot_general3A_993, %concatenate3A_407 : vector<128x384xf32>
      %integer_pow3A_995 = arith.mulf %add3A_994, %add3A_994 : vector<128x384xf32>
      %integer_pow3A_996 = arith.mulf %add3A_994, %integer_pow3A_995 : vector<128x384xf32>
      %mul3A_997 = arith.constant 4.471500e-02 : f32
      %mul3A_998 = vector.broadcast %mul3A_997 : f32 to vector<128x384xf32>
      %mul3A_999 = arith.mulf %mul3A_998, %integer_pow3A_996 : vector<128x384xf32>
      %add3A_1000 = arith.addf %add3A_994, %mul3A_999 : vector<128x384xf32>
      %mul3A_1001 = arith.constant 0.797884583 : f32
      %mul3A_1002 = vector.broadcast %mul3A_1001 : f32 to vector<128x384xf32>
      %mul3A_1003 = arith.mulf %mul3A_1002, %add3A_1000 : vector<128x384xf32>
      %tanh3A_1004 = math.tanh %mul3A_1003 : vector<128x384xf32>
      %add3A_1005 = arith.constant 1.000000e+00 : f32
      %add3A_1006 = vector.broadcast %add3A_1005 : f32 to vector<128x384xf32>
      %add3A_1007 = arith.addf %add3A_1006, %tanh3A_1004 : vector<128x384xf32>
      %mul3A_1008 = arith.constant 5.000000e-01 : f32
      %mul3A_1009 = vector.broadcast %mul3A_1008 : f32 to vector<128x384xf32>
      %mul3A_1010 = arith.mulf %mul3A_1009, %add3A_1007 : vector<128x384xf32>
      %mul3A_1011 = arith.mulf %add3A_994, %mul3A_1010 : vector<128x384xf32>
      %mul3A_1012 = arith.constant 8 : i32
      %mul3A_1013 = arith.muli %while3A_983, %mul3A_1012 : i32
      %sub3A_1014 = arith.subi %get3A_409, %mul3A_1013 : i32
      %mul3A_1015 = arith.constant 16 : i32
      %mul3A_1016 = arith.muli %sub3A_1014, %mul3A_1015 : i32
      %lt3A = vector.broadcast %mul3A_1016 : i32 to vector<1x128xi32>
      %lt3A_1017 = arith.cmpi slt, %iota3A, %lt3A : vector<1x128xi32>
      %convert_element_type3A_1018 = arith.extui %lt3A_1017 : vector<1x128xi1> to vector<1x128xi32>
      %convert_element_type3A_1019 = arith.sitofp %convert_element_type3A_1018 : vector<1x128xi32> to vector<1x128xf32>
      %convert_element_type3A_1020 = arith.truncf %convert_element_type3A_1019 : vector<1x128xf32> to vector<1x128xbf16>
      %convert_element_type3A_1021 = arith.truncf %mul3A_1011 : vector<128x384xf32> to vector<128x384xbf16>
      %dot_general3A_1022 = arith.constant dense<0.000000e+00> : vector<1x384xf32>
      %dot_general3A_1023 = tpu.matmul %convert_element_type3A_1020, %convert_element_type3A_1021, %dot_general3A_1022 {dimension_numbers = #tpu.dot_dimension_numbers<[1], [0], [0], [1], [0, 0, 1, 1], [], []>, transpose_lhs_hint = false} : vector<1x128xbf16>, vector<128x384xbf16>, vector<1x384xf32> -> vector<1x384xf32>
      %add3A_1024 = arith.addf %while3A_984, %dot_general3A_1023 : vector<1x384xf32>
      scf.yield %add3A_1024 : vector<1x384xf32>
    }
    %mul3A_451 = arith.constant 16 : i32
    %mul3A_452 = arith.muli %get3A_409, %mul3A_451 : i32
    %max3A_453 = arith.constant 1 : i32
    %max3A_454 = arith.maxsi %mul3A_452, %max3A_453 : i32
    %convert_element_type3A_455 = arith.sitofp %max3A_454 : i32 to f32
    %div3A_456 = vector.broadcast %convert_element_type3A_455 : f32 to vector<1x384xf32>
    %div3A_457 = arith.divf %while3A_450, %div3A_456 : vector<1x384xf32>
    %swap3A_458 = arith.constant 7 : index
    %swap3A_459 = arith.constant 0 : index
    %swap3A_460 = vector.load %arg11[%swap3A_458, %swap3A_459] : memref<16x384xf32, #tpu.memory_space<vmem>>, vector<1x384xf32>
    tpu.vector_store %arg11[%swap3A_458, %swap3A_459], %div3A_457 {strides = array<i32>} : memref<16x384xf32, #tpu.memory_space<vmem>>, vector<1x384xf32>,
    %get3A_461 = arith.constant 128 : index
    %get3A_462 = arith.constant 0 : index
    %get3A_463 = vector.load %arg5[%get3A_461, %get3A_462] : memref<256x384xf32, #tpu.memory_space<vmem>>, vector<16x384xf32>
    %add3A_464 = vector.broadcast %get3A_4 : vector<1x384xf32> to vector<16x384xf32>
    %add3A_465 = arith.addf %get3A_463, %add3A_464 : vector<16x384xf32>
    %concatenate3A_466 = tpu.concatenate %add3A_465, %add3A_465, %add3A_465, %add3A_465, %add3A_465, %add3A_465, %add3A_465, %add3A_465 in 0 : vector<16x384xf32>, vector<16x384xf32>, vector<16x384xf32>, vector<16x384xf32>, vector<16x384xf32>, vector<16x384xf32>, vector<16x384xf32>, vector<16x384xf32> -> vector<128x384xf32>
    %get3A_467 = arith.constant 8 : index
    %get3A_468 = memref.load %arg1[%get3A_467] : memref<16xi32, #tpu.memory_space<smem>>
    %add3A_469 = arith.constant 8 : i32
    %add3A_470 = arith.addi %get3A_468, %add3A_469 : i32
    %sub3A_471 = arith.constant 1 : i32
    %sub3A_472 = arith.subi %add3A_470, %sub3A_471 : i32
    %jit3A_473 = arith.constant 8 : i32
    %div3A_474 = arith.divsi %sub3A_472, %jit3A_473 : i32
    %sign3A_475 = arith.constant 0 : i32
    %sign3A_476 = arith.cmpi sgt, %sub3A_472, %sign3A_475 : i32
    %sign3A_477 = arith.extui %sign3A_476 : i1 to i32
    %sign3A_478 = arith.constant 0 : i32
    %sign3A_479 = arith.cmpi slt, %sub3A_472, %sign3A_478 : i32
    %sign3A_480 = arith.extui %sign3A_479 : i1 to i32
    %sign3A_481 = arith.subi %sign3A_477, %sign3A_480 : i32
    %sign3A_482 = arith.constant 0 : i32
    %sign3A_483 = arith.cmpi sgt, %jit3A_473, %sign3A_482 : i32
    %sign3A_484 = arith.extui %sign3A_483 : i1 to i32
    %sign3A_485 = arith.constant 0 : i32
    %sign3A_486 = arith.cmpi slt, %jit3A_473, %sign3A_485 : i32
    %sign3A_487 = arith.extui %sign3A_486 : i1 to i32
    %sign3A_488 = arith.subi %sign3A_484, %sign3A_487 : i32
    %ne3A_489 = arith.cmpi ne, %sign3A_481, %sign3A_488 : i32
    %rem3A_490 = arith.remsi %sub3A_472, %jit3A_473 : i32
    %ne3A_491 = arith.constant 0 : i32
    %ne3A_492 = arith.cmpi ne, %rem3A_490, %ne3A_491 : i32
    %and3A_493 = arith.andi %ne3A_489, %ne3A_492 : i1
    %sub3A_494 = arith.constant 1 : i32
    %sub3A_495 = arith.subi %div3A_474, %sub3A_494 : i32
    %select_n3A_496 = arith.select %and3A_493, %sub3A_495, %div3A_474 : i32
    %broadcast_in_dim3A_497 = arith.constant 0.000000e+00 : f32
    %broadcast_in_dim3A_498 = vector.broadcast %broadcast_in_dim3A_497 : f32 to vector<1x384xf32>
    %while3A_499 = arith.constant 0 : i32
    %while3A_500 = arith.subi %select_n3A_496, %while3A_499 : i32
    %while3A_501 = arith.addi %while3A_499, %while3A_500 : i32
    %while3A_502 = arith.constant 1 : i32
    %while3A_503 = arith.divsi %while3A_500, %while3A_502 : i32
    %while3A_504 = arith.muli %while3A_503, %while3A_502 : i32
    %while3A_505 = arith.addi %while3A_499, %while3A_504 : i32
    %while3A_506 = arith.constant 1 : i32
    %while3A_507 = scf.for %while3A_983 = %while3A_499 to %while3A_505 step %while3A_506 iter_args(%while3A_984 = %broadcast_in_dim3A_498) -> (vector<1x384xf32>)  : i32 {
      %mul3A_985 = arith.constant 128 : i32
      %mul3A_986 = arith.muli %while3A_983, %mul3A_985 : i32
      %get3A_987 = arith.constant 8 : index
      %get3A_988 = arith.index_cast %mul3A_986 : i32 to index
      %get3A_989 = arith.constant 0 : index
      %get3A_990 = vector.load %arg2[%get3A_987, %get3A_988, %get3A_989] : memref<16x768x96xbf16, #tpu.memory_space<vmem>>, vector<1x128x96xbf16>
      %get3A_991 = vector.shape_cast %get3A_990 : vector<1x128x96xbf16> to vector<128x96xbf16>
      %dot_general3A_992 = arith.constant dense<0.000000e+00> : vector<128x384xf32>
      %dot_general3A_993 = tpu.matmul %get3A_991, %get3A_1, %dot_general3A_992 {dimension_numbers = #tpu.dot_dimension_numbers<[1], [0], [0], [1], [0, 0, 1, 1], [], []>, transpose_lhs_hint = false} : vector<128x96xbf16>, vector<96x384xbf16>, vector<128x384xf32> -> vector<128x384xf32>
      %add3A_994 = arith.addf %dot_general3A_993, %concatenate3A_466 : vector<128x384xf32>
      %integer_pow3A_995 = arith.mulf %add3A_994, %add3A_994 : vector<128x384xf32>
      %integer_pow3A_996 = arith.mulf %add3A_994, %integer_pow3A_995 : vector<128x384xf32>
      %mul3A_997 = arith.constant 4.471500e-02 : f32
      %mul3A_998 = vector.broadcast %mul3A_997 : f32 to vector<128x384xf32>
      %mul3A_999 = arith.mulf %mul3A_998, %integer_pow3A_996 : vector<128x384xf32>
      %add3A_1000 = arith.addf %add3A_994, %mul3A_999 : vector<128x384xf32>
      %mul3A_1001 = arith.constant 0.797884583 : f32
      %mul3A_1002 = vector.broadcast %mul3A_1001 : f32 to vector<128x384xf32>
      %mul3A_1003 = arith.mulf %mul3A_1002, %add3A_1000 : vector<128x384xf32>
      %tanh3A_1004 = math.tanh %mul3A_1003 : vector<128x384xf32>
      %add3A_1005 = arith.constant 1.000000e+00 : f32
      %add3A_1006 = vector.broadcast %add3A_1005 : f32 to vector<128x384xf32>
      %add3A_1007 = arith.addf %add3A_1006, %tanh3A_1004 : vector<128x384xf32>
      %mul3A_1008 = arith.constant 5.000000e-01 : f32
      %mul3A_1009 = vector.broadcast %mul3A_1008 : f32 to vector<128x384xf32>
      %mul3A_1010 = arith.mulf %mul3A_1009, %add3A_1007 : vector<128x384xf32>
      %mul3A_1011 = arith.mulf %add3A_994, %mul3A_1010 : vector<128x384xf32>
      %mul3A_1012 = arith.constant 8 : i32
      %mul3A_1013 = arith.muli %while3A_983, %mul3A_1012 : i32
      %sub3A_1014 = arith.subi %get3A_468, %mul3A_1013 : i32
      %mul3A_1015 = arith.constant 16 : i32
      %mul3A_1016 = arith.muli %sub3A_1014, %mul3A_1015 : i32
      %lt3A = vector.broadcast %mul3A_1016 : i32 to vector<1x128xi32>
      %lt3A_1017 = arith.cmpi slt, %iota3A, %lt3A : vector<1x128xi32>
      %convert_element_type3A_1018 = arith.extui %lt3A_1017 : vector<1x128xi1> to vector<1x128xi32>
      %convert_element_type3A_1019 = arith.sitofp %convert_element_type3A_1018 : vector<1x128xi32> to vector<1x128xf32>
      %convert_element_type3A_1020 = arith.truncf %convert_element_type3A_1019 : vector<1x128xf32> to vector<1x128xbf16>
      %convert_element_type3A_1021 = arith.truncf %mul3A_1011 : vector<128x384xf32> to vector<128x384xbf16>
      %dot_general3A_1022 = arith.constant dense<0.000000e+00> : vector<1x384xf32>
      %dot_general3A_1023 = tpu.matmul %convert_element_type3A_1020, %convert_element_type3A_1021, %dot_general3A_1022 {dimension_numbers = #tpu.dot_dimension_numbers<[1], [0], [0], [1], [0, 0, 1, 1], [], []>, transpose_lhs_hint = false} : vector<1x128xbf16>, vector<128x384xbf16>, vector<1x384xf32> -> vector<1x384xf32>
      %add3A_1024 = arith.addf %while3A_984, %dot_general3A_1023 : vector<1x384xf32>
      scf.yield %add3A_1024 : vector<1x384xf32>
    }
    %while3A_508 = arith.constant 1 : i32
    %while3A_509 = scf.for %while3A_983 = %while3A_505 to %while3A_501 step %while3A_508 iter_args(%while3A_984 = %while3A_507) -> (vector<1x384xf32>)  : i32 {
      %mul3A_985 = arith.constant 128 : i32
      %mul3A_986 = arith.muli %while3A_983, %mul3A_985 : i32
      %get3A_987 = arith.constant 8 : index
      %get3A_988 = arith.index_cast %mul3A_986 : i32 to index
      %get3A_989 = arith.constant 0 : index
      %get3A_990 = vector.load %arg2[%get3A_987, %get3A_988, %get3A_989] : memref<16x768x96xbf16, #tpu.memory_space<vmem>>, vector<1x128x96xbf16>
      %get3A_991 = vector.shape_cast %get3A_990 : vector<1x128x96xbf16> to vector<128x96xbf16>
      %dot_general3A_992 = arith.constant dense<0.000000e+00> : vector<128x384xf32>
      %dot_general3A_993 = tpu.matmul %get3A_991, %get3A_1, %dot_general3A_992 {dimension_numbers = #tpu.dot_dimension_numbers<[1], [0], [0], [1], [0, 0, 1, 1], [], []>, transpose_lhs_hint = false} : vector<128x96xbf16>, vector<96x384xbf16>, vector<128x384xf32> -> vector<128x384xf32>
      %add3A_994 = arith.addf %dot_general3A_993, %concatenate3A_466 : vector<128x384xf32>
      %integer_pow3A_995 = arith.mulf %add3A_994, %add3A_994 : vector<128x384xf32>
      %integer_pow3A_996 = arith.mulf %add3A_994, %integer_pow3A_995 : vector<128x384xf32>
      %mul3A_997 = arith.constant 4.471500e-02 : f32
      %mul3A_998 = vector.broadcast %mul3A_997 : f32 to vector<128x384xf32>
      %mul3A_999 = arith.mulf %mul3A_998, %integer_pow3A_996 : vector<128x384xf32>
      %add3A_1000 = arith.addf %add3A_994, %mul3A_999 : vector<128x384xf32>
      %mul3A_1001 = arith.constant 0.797884583 : f32
      %mul3A_1002 = vector.broadcast %mul3A_1001 : f32 to vector<128x384xf32>
      %mul3A_1003 = arith.mulf %mul3A_1002, %add3A_1000 : vector<128x384xf32>
      %tanh3A_1004 = math.tanh %mul3A_1003 : vector<128x384xf32>
      %add3A_1005 = arith.constant 1.000000e+00 : f32
      %add3A_1006 = vector.broadcast %add3A_1005 : f32 to vector<128x384xf32>
      %add3A_1007 = arith.addf %add3A_1006, %tanh3A_1004 : vector<128x384xf32>
      %mul3A_1008 = arith.constant 5.000000e-01 : f32
      %mul3A_1009 = vector.broadcast %mul3A_1008 : f32 to vector<128x384xf32>
      %mul3A_1010 = arith.mulf %mul3A_1009, %add3A_1007 : vector<128x384xf32>
      %mul3A_1011 = arith.mulf %add3A_994, %mul3A_1010 : vector<128x384xf32>
      %mul3A_1012 = arith.constant 8 : i32
      %mul3A_1013 = arith.muli %while3A_983, %mul3A_1012 : i32
      %sub3A_1014 = arith.subi %get3A_468, %mul3A_1013 : i32
      %mul3A_1015 = arith.constant 16 : i32
      %mul3A_1016 = arith.muli %sub3A_1014, %mul3A_1015 : i32
      %lt3A = vector.broadcast %mul3A_1016 : i32 to vector<1x128xi32>
      %lt3A_1017 = arith.cmpi slt, %iota3A, %lt3A : vector<1x128xi32>
      %convert_element_type3A_1018 = arith.extui %lt3A_1017 : vector<1x128xi1> to vector<1x128xi32>
      %convert_element_type3A_1019 = arith.sitofp %convert_element_type3A_1018 : vector<1x128xi32> to vector<1x128xf32>
      %convert_element_type3A_1020 = arith.truncf %convert_element_type3A_1019 : vector<1x128xf32> to vector<1x128xbf16>
      %convert_element_type3A_1021 = arith.truncf %mul3A_1011 : vector<128x384xf32> to vector<128x384xbf16>
      %dot_general3A_1022 = arith.constant dense<0.000000e+00> : vector<1x384xf32>
      %dot_general3A_1023 = tpu.matmul %convert_element_type3A_1020, %convert_element_type3A_1021, %dot_general3A_1022 {dimension_numbers = #tpu.dot_dimension_numbers<[1], [0], [0], [1], [0, 0, 1, 1], [], []>, transpose_lhs_hint = false} : vector<1x128xbf16>, vector<128x384xbf16>, vector<1x384xf32> -> vector<1x384xf32>
      %add3A_1024 = arith.addf %while3A_984, %dot_general3A_1023 : vector<1x384xf32>
      scf.yield %add3A_1024 : vector<1x384xf32>
    }
    %mul3A_510 = arith.constant 16 : i32
    %mul3A_511 = arith.muli %get3A_468, %mul3A_510 : i32
    %max3A_512 = arith.constant 1 : i32
    %max3A_513 = arith.maxsi %mul3A_511, %max3A_512 : i32
    %convert_element_type3A_514 = arith.sitofp %max3A_513 : i32 to f32
    %div3A_515 = vector.broadcast %convert_element_type3A_514 : f32 to vector<1x384xf32>
    %div3A_516 = arith.divf %while3A_509, %div3A_515 : vector<1x384xf32>
    %swap3A_517 = arith.constant 8 : index
    %swap3A_518 = arith.constant 0 : index
    %swap3A_519 = vector.load %arg11[%swap3A_517, %swap3A_518] : memref<16x384xf32, #tpu.memory_space<vmem>>, vector<1x384xf32>
    tpu.vector_store %arg11[%swap3A_517, %swap3A_518], %div3A_516 {strides = array<i32>} : memref<16x384xf32, #tpu.memory_space<vmem>>, vector<1x384xf32>,
    %get3A_520 = arith.constant 144 : index
    %get3A_521 = arith.constant 0 : index
    %get3A_522 = vector.load %arg5[%get3A_520, %get3A_521] : memref<256x384xf32, #tpu.memory_space<vmem>>, vector<16x384xf32>
    %add3A_523 = vector.broadcast %get3A_4 : vector<1x384xf32> to vector<16x384xf32>
    %add3A_524 = arith.addf %get3A_522, %add3A_523 : vector<16x384xf32>
    %concatenate3A_525 = tpu.concatenate %add3A_524, %add3A_524, %add3A_524, %add3A_524, %add3A_524, %add3A_524, %add3A_524, %add3A_524 in 0 : vector<16x384xf32>, vector<16x384xf32>, vector<16x384xf32>, vector<16x384xf32>, vector<16x384xf32>, vector<16x384xf32>, vector<16x384xf32>, vector<16x384xf32> -> vector<128x384xf32>
    %get3A_526 = arith.constant 9 : index
    %get3A_527 = memref.load %arg1[%get3A_526] : memref<16xi32, #tpu.memory_space<smem>>
    %add3A_528 = arith.constant 8 : i32
    %add3A_529 = arith.addi %get3A_527, %add3A_528 : i32
    %sub3A_530 = arith.constant 1 : i32
    %sub3A_531 = arith.subi %add3A_529, %sub3A_530 : i32
    %jit3A_532 = arith.constant 8 : i32
    %div3A_533 = arith.divsi %sub3A_531, %jit3A_532 : i32
    %sign3A_534 = arith.constant 0 : i32
    %sign3A_535 = arith.cmpi sgt, %sub3A_531, %sign3A_534 : i32
    %sign3A_536 = arith.extui %sign3A_535 : i1 to i32
    %sign3A_537 = arith.constant 0 : i32
    %sign3A_538 = arith.cmpi slt, %sub3A_531, %sign3A_537 : i32
    %sign3A_539 = arith.extui %sign3A_538 : i1 to i32
    %sign3A_540 = arith.subi %sign3A_536, %sign3A_539 : i32
    %sign3A_541 = arith.constant 0 : i32
    %sign3A_542 = arith.cmpi sgt, %jit3A_532, %sign3A_541 : i32
    %sign3A_543 = arith.extui %sign3A_542 : i1 to i32
    %sign3A_544 = arith.constant 0 : i32
    %sign3A_545 = arith.cmpi slt, %jit3A_532, %sign3A_544 : i32
    %sign3A_546 = arith.extui %sign3A_545 : i1 to i32
    %sign3A_547 = arith.subi %sign3A_543, %sign3A_546 : i32
    %ne3A_548 = arith.cmpi ne, %sign3A_540, %sign3A_547 : i32
    %rem3A_549 = arith.remsi %sub3A_531, %jit3A_532 : i32
    %ne3A_550 = arith.constant 0 : i32
    %ne3A_551 = arith.cmpi ne, %rem3A_549, %ne3A_550 : i32
    %and3A_552 = arith.andi %ne3A_548, %ne3A_551 : i1
    %sub3A_553 = arith.constant 1 : i32
    %sub3A_554 = arith.subi %div3A_533, %sub3A_553 : i32
    %select_n3A_555 = arith.select %and3A_552, %sub3A_554, %div3A_533 : i32
    %broadcast_in_dim3A_556 = arith.constant 0.000000e+00 : f32
    %broadcast_in_dim3A_557 = vector.broadcast %broadcast_in_dim3A_556 : f32 to vector<1x384xf32>
    %while3A_558 = arith.constant 0 : i32
    %while3A_559 = arith.subi %select_n3A_555, %while3A_558 : i32
    %while3A_560 = arith.addi %while3A_558, %while3A_559 : i32
    %while3A_561 = arith.constant 1 : i32
    %while3A_562 = arith.divsi %while3A_559, %while3A_561 : i32
    %while3A_563 = arith.muli %while3A_562, %while3A_561 : i32
    %while3A_564 = arith.addi %while3A_558, %while3A_563 : i32
    %while3A_565 = arith.constant 1 : i32
    %while3A_566 = scf.for %while3A_983 = %while3A_558 to %while3A_564 step %while3A_565 iter_args(%while3A_984 = %broadcast_in_dim3A_557) -> (vector<1x384xf32>)  : i32 {
      %mul3A_985 = arith.constant 128 : i32
      %mul3A_986 = arith.muli %while3A_983, %mul3A_985 : i32
      %get3A_987 = arith.constant 9 : index
      %get3A_988 = arith.index_cast %mul3A_986 : i32 to index
      %get3A_989 = arith.constant 0 : index
      %get3A_990 = vector.load %arg2[%get3A_987, %get3A_988, %get3A_989] : memref<16x768x96xbf16, #tpu.memory_space<vmem>>, vector<1x128x96xbf16>
      %get3A_991 = vector.shape_cast %get3A_990 : vector<1x128x96xbf16> to vector<128x96xbf16>
      %dot_general3A_992 = arith.constant dense<0.000000e+00> : vector<128x384xf32>
      %dot_general3A_993 = tpu.matmul %get3A_991, %get3A_1, %dot_general3A_992 {dimension_numbers = #tpu.dot_dimension_numbers<[1], [0], [0], [1], [0, 0, 1, 1], [], []>, transpose_lhs_hint = false} : vector<128x96xbf16>, vector<96x384xbf16>, vector<128x384xf32> -> vector<128x384xf32>
      %add3A_994 = arith.addf %dot_general3A_993, %concatenate3A_525 : vector<128x384xf32>
      %integer_pow3A_995 = arith.mulf %add3A_994, %add3A_994 : vector<128x384xf32>
      %integer_pow3A_996 = arith.mulf %add3A_994, %integer_pow3A_995 : vector<128x384xf32>
      %mul3A_997 = arith.constant 4.471500e-02 : f32
      %mul3A_998 = vector.broadcast %mul3A_997 : f32 to vector<128x384xf32>
      %mul3A_999 = arith.mulf %mul3A_998, %integer_pow3A_996 : vector<128x384xf32>
      %add3A_1000 = arith.addf %add3A_994, %mul3A_999 : vector<128x384xf32>
      %mul3A_1001 = arith.constant 0.797884583 : f32
      %mul3A_1002 = vector.broadcast %mul3A_1001 : f32 to vector<128x384xf32>
      %mul3A_1003 = arith.mulf %mul3A_1002, %add3A_1000 : vector<128x384xf32>
      %tanh3A_1004 = math.tanh %mul3A_1003 : vector<128x384xf32>
      %add3A_1005 = arith.constant 1.000000e+00 : f32
      %add3A_1006 = vector.broadcast %add3A_1005 : f32 to vector<128x384xf32>
      %add3A_1007 = arith.addf %add3A_1006, %tanh3A_1004 : vector<128x384xf32>
      %mul3A_1008 = arith.constant 5.000000e-01 : f32
      %mul3A_1009 = vector.broadcast %mul3A_1008 : f32 to vector<128x384xf32>
      %mul3A_1010 = arith.mulf %mul3A_1009, %add3A_1007 : vector<128x384xf32>
      %mul3A_1011 = arith.mulf %add3A_994, %mul3A_1010 : vector<128x384xf32>
      %mul3A_1012 = arith.constant 8 : i32
      %mul3A_1013 = arith.muli %while3A_983, %mul3A_1012 : i32
      %sub3A_1014 = arith.subi %get3A_527, %mul3A_1013 : i32
      %mul3A_1015 = arith.constant 16 : i32
      %mul3A_1016 = arith.muli %sub3A_1014, %mul3A_1015 : i32
      %lt3A = vector.broadcast %mul3A_1016 : i32 to vector<1x128xi32>
      %lt3A_1017 = arith.cmpi slt, %iota3A, %lt3A : vector<1x128xi32>
      %convert_element_type3A_1018 = arith.extui %lt3A_1017 : vector<1x128xi1> to vector<1x128xi32>
      %convert_element_type3A_1019 = arith.sitofp %convert_element_type3A_1018 : vector<1x128xi32> to vector<1x128xf32>
      %convert_element_type3A_1020 = arith.truncf %convert_element_type3A_1019 : vector<1x128xf32> to vector<1x128xbf16>
      %convert_element_type3A_1021 = arith.truncf %mul3A_1011 : vector<128x384xf32> to vector<128x384xbf16>
      %dot_general3A_1022 = arith.constant dense<0.000000e+00> : vector<1x384xf32>
      %dot_general3A_1023 = tpu.matmul %convert_element_type3A_1020, %convert_element_type3A_1021, %dot_general3A_1022 {dimension_numbers = #tpu.dot_dimension_numbers<[1], [0], [0], [1], [0, 0, 1, 1], [], []>, transpose_lhs_hint = false} : vector<1x128xbf16>, vector<128x384xbf16>, vector<1x384xf32> -> vector<1x384xf32>
      %add3A_1024 = arith.addf %while3A_984, %dot_general3A_1023 : vector<1x384xf32>
      scf.yield %add3A_1024 : vector<1x384xf32>
    }
    %while3A_567 = arith.constant 1 : i32
    %while3A_568 = scf.for %while3A_983 = %while3A_564 to %while3A_560 step %while3A_567 iter_args(%while3A_984 = %while3A_566) -> (vector<1x384xf32>)  : i32 {
      %mul3A_985 = arith.constant 128 : i32
      %mul3A_986 = arith.muli %while3A_983, %mul3A_985 : i32
      %get3A_987 = arith.constant 9 : index
      %get3A_988 = arith.index_cast %mul3A_986 : i32 to index
      %get3A_989 = arith.constant 0 : index
      %get3A_990 = vector.load %arg2[%get3A_987, %get3A_988, %get3A_989] : memref<16x768x96xbf16, #tpu.memory_space<vmem>>, vector<1x128x96xbf16>
      %get3A_991 = vector.shape_cast %get3A_990 : vector<1x128x96xbf16> to vector<128x96xbf16>
      %dot_general3A_992 = arith.constant dense<0.000000e+00> : vector<128x384xf32>
      %dot_general3A_993 = tpu.matmul %get3A_991, %get3A_1, %dot_general3A_992 {dimension_numbers = #tpu.dot_dimension_numbers<[1], [0], [0], [1], [0, 0, 1, 1], [], []>, transpose_lhs_hint = false} : vector<128x96xbf16>, vector<96x384xbf16>, vector<128x384xf32> -> vector<128x384xf32>
      %add3A_994 = arith.addf %dot_general3A_993, %concatenate3A_525 : vector<128x384xf32>
      %integer_pow3A_995 = arith.mulf %add3A_994, %add3A_994 : vector<128x384xf32>
      %integer_pow3A_996 = arith.mulf %add3A_994, %integer_pow3A_995 : vector<128x384xf32>
      %mul3A_997 = arith.constant 4.471500e-02 : f32
      %mul3A_998 = vector.broadcast %mul3A_997 : f32 to vector<128x384xf32>
      %mul3A_999 = arith.mulf %mul3A_998, %integer_pow3A_996 : vector<128x384xf32>
      %add3A_1000 = arith.addf %add3A_994, %mul3A_999 : vector<128x384xf32>
      %mul3A_1001 = arith.constant 0.797884583 : f32
      %mul3A_1002 = vector.broadcast %mul3A_1001 : f32 to vector<128x384xf32>
      %mul3A_1003 = arith.mulf %mul3A_1002, %add3A_1000 : vector<128x384xf32>
      %tanh3A_1004 = math.tanh %mul3A_1003 : vector<128x384xf32>
      %add3A_1005 = arith.constant 1.000000e+00 : f32
      %add3A_1006 = vector.broadcast %add3A_1005 : f32 to vector<128x384xf32>
      %add3A_1007 = arith.addf %add3A_1006, %tanh3A_1004 : vector<128x384xf32>
      %mul3A_1008 = arith.constant 5.000000e-01 : f32
      %mul3A_1009 = vector.broadcast %mul3A_1008 : f32 to vector<128x384xf32>
      %mul3A_1010 = arith.mulf %mul3A_1009, %add3A_1007 : vector<128x384xf32>
      %mul3A_1011 = arith.mulf %add3A_994, %mul3A_1010 : vector<128x384xf32>
      %mul3A_1012 = arith.constant 8 : i32
      %mul3A_1013 = arith.muli %while3A_983, %mul3A_1012 : i32
      %sub3A_1014 = arith.subi %get3A_527, %mul3A_1013 : i32
      %mul3A_1015 = arith.constant 16 : i32
      %mul3A_1016 = arith.muli %sub3A_1014, %mul3A_1015 : i32
      %lt3A = vector.broadcast %mul3A_1016 : i32 to vector<1x128xi32>
      %lt3A_1017 = arith.cmpi slt, %iota3A, %lt3A : vector<1x128xi32>
      %convert_element_type3A_1018 = arith.extui %lt3A_1017 : vector<1x128xi1> to vector<1x128xi32>
      %convert_element_type3A_1019 = arith.sitofp %convert_element_type3A_1018 : vector<1x128xi32> to vector<1x128xf32>
      %convert_element_type3A_1020 = arith.truncf %convert_element_type3A_1019 : vector<1x128xf32> to vector<1x128xbf16>
      %convert_element_type3A_1021 = arith.truncf %mul3A_1011 : vector<128x384xf32> to vector<128x384xbf16>
      %dot_general3A_1022 = arith.constant dense<0.000000e+00> : vector<1x384xf32>
      %dot_general3A_1023 = tpu.matmul %convert_element_type3A_1020, %convert_element_type3A_1021, %dot_general3A_1022 {dimension_numbers = #tpu.dot_dimension_numbers<[1], [0], [0], [1], [0, 0, 1, 1], [], []>, transpose_lhs_hint = false} : vector<1x128xbf16>, vector<128x384xbf16>, vector<1x384xf32> -> vector<1x384xf32>
      %add3A_1024 = arith.addf %while3A_984, %dot_general3A_1023 : vector<1x384xf32>
      scf.yield %add3A_1024 : vector<1x384xf32>
    }
    %mul3A_569 = arith.constant 16 : i32
    %mul3A_570 = arith.muli %get3A_527, %mul3A_569 : i32
    %max3A_571 = arith.constant 1 : i32
    %max3A_572 = arith.maxsi %mul3A_570, %max3A_571 : i32
    %convert_element_type3A_573 = arith.sitofp %max3A_572 : i32 to f32
    %div3A_574 = vector.broadcast %convert_element_type3A_573 : f32 to vector<1x384xf32>
    %div3A_575 = arith.divf %while3A_568, %div3A_574 : vector<1x384xf32>
    %swap3A_576 = arith.constant 9 : index
    %swap3A_577 = arith.constant 0 : index
    %swap3A_578 = vector.load %arg11[%swap3A_576, %swap3A_577] : memref<16x384xf32, #tpu.memory_space<vmem>>, vector<1x384xf32>
    tpu.vector_store %arg11[%swap3A_576, %swap3A_577], %div3A_575 {strides = array<i32>} : memref<16x384xf32, #tpu.memory_space<vmem>>, vector<1x384xf32>,
    %get3A_579 = arith.constant 160 : index
    %get3A_580 = arith.constant 0 : index
    %get3A_581 = vector.load %arg5[%get3A_579, %get3A_580] : memref<256x384xf32, #tpu.memory_space<vmem>>, vector<16x384xf32>
    %add3A_582 = vector.broadcast %get3A_4 : vector<1x384xf32> to vector<16x384xf32>
    %add3A_583 = arith.addf %get3A_581, %add3A_582 : vector<16x384xf32>
    %concatenate3A_584 = tpu.concatenate %add3A_583, %add3A_583, %add3A_583, %add3A_583, %add3A_583, %add3A_583, %add3A_583, %add3A_583 in 0 : vector<16x384xf32>, vector<16x384xf32>, vector<16x384xf32>, vector<16x384xf32>, vector<16x384xf32>, vector<16x384xf32>, vector<16x384xf32>, vector<16x384xf32> -> vector<128x384xf32>
    %get3A_585 = arith.constant 10 : index
    %get3A_586 = memref.load %arg1[%get3A_585] : memref<16xi32, #tpu.memory_space<smem>>
    %add3A_587 = arith.constant 8 : i32
    %add3A_588 = arith.addi %get3A_586, %add3A_587 : i32
    %sub3A_589 = arith.constant 1 : i32
    %sub3A_590 = arith.subi %add3A_588, %sub3A_589 : i32
    %jit3A_591 = arith.constant 8 : i32
    %div3A_592 = arith.divsi %sub3A_590, %jit3A_591 : i32
    %sign3A_593 = arith.constant 0 : i32
    %sign3A_594 = arith.cmpi sgt, %sub3A_590, %sign3A_593 : i32
    %sign3A_595 = arith.extui %sign3A_594 : i1 to i32
    %sign3A_596 = arith.constant 0 : i32
    %sign3A_597 = arith.cmpi slt, %sub3A_590, %sign3A_596 : i32
    %sign3A_598 = arith.extui %sign3A_597 : i1 to i32
    %sign3A_599 = arith.subi %sign3A_595, %sign3A_598 : i32
    %sign3A_600 = arith.constant 0 : i32
    %sign3A_601 = arith.cmpi sgt, %jit3A_591, %sign3A_600 : i32
    %sign3A_602 = arith.extui %sign3A_601 : i1 to i32
    %sign3A_603 = arith.constant 0 : i32
    %sign3A_604 = arith.cmpi slt, %jit3A_591, %sign3A_603 : i32
    %sign3A_605 = arith.extui %sign3A_604 : i1 to i32
    %sign3A_606 = arith.subi %sign3A_602, %sign3A_605 : i32
    %ne3A_607 = arith.cmpi ne, %sign3A_599, %sign3A_606 : i32
    %rem3A_608 = arith.remsi %sub3A_590, %jit3A_591 : i32
    %ne3A_609 = arith.constant 0 : i32
    %ne3A_610 = arith.cmpi ne, %rem3A_608, %ne3A_609 : i32
    %and3A_611 = arith.andi %ne3A_607, %ne3A_610 : i1
    %sub3A_612 = arith.constant 1 : i32
    %sub3A_613 = arith.subi %div3A_592, %sub3A_612 : i32
    %select_n3A_614 = arith.select %and3A_611, %sub3A_613, %div3A_592 : i32
    %broadcast_in_dim3A_615 = arith.constant 0.000000e+00 : f32
    %broadcast_in_dim3A_616 = vector.broadcast %broadcast_in_dim3A_615 : f32 to vector<1x384xf32>
    %while3A_617 = arith.constant 0 : i32
    %while3A_618 = arith.subi %select_n3A_614, %while3A_617 : i32
    %while3A_619 = arith.addi %while3A_617, %while3A_618 : i32
    %while3A_620 = arith.constant 1 : i32
    %while3A_621 = arith.divsi %while3A_618, %while3A_620 : i32
    %while3A_622 = arith.muli %while3A_621, %while3A_620 : i32
    %while3A_623 = arith.addi %while3A_617, %while3A_622 : i32
    %while3A_624 = arith.constant 1 : i32
    %while3A_625 = scf.for %while3A_983 = %while3A_617 to %while3A_623 step %while3A_624 iter_args(%while3A_984 = %broadcast_in_dim3A_616) -> (vector<1x384xf32>)  : i32 {
      %mul3A_985 = arith.constant 128 : i32
      %mul3A_986 = arith.muli %while3A_983, %mul3A_985 : i32
      %get3A_987 = arith.constant 10 : index
      %get3A_988 = arith.index_cast %mul3A_986 : i32 to index
      %get3A_989 = arith.constant 0 : index
      %get3A_990 = vector.load %arg2[%get3A_987, %get3A_988, %get3A_989] : memref<16x768x96xbf16, #tpu.memory_space<vmem>>, vector<1x128x96xbf16>
      %get3A_991 = vector.shape_cast %get3A_990 : vector<1x128x96xbf16> to vector<128x96xbf16>
      %dot_general3A_992 = arith.constant dense<0.000000e+00> : vector<128x384xf32>
      %dot_general3A_993 = tpu.matmul %get3A_991, %get3A_1, %dot_general3A_992 {dimension_numbers = #tpu.dot_dimension_numbers<[1], [0], [0], [1], [0, 0, 1, 1], [], []>, transpose_lhs_hint = false} : vector<128x96xbf16>, vector<96x384xbf16>, vector<128x384xf32> -> vector<128x384xf32>
      %add3A_994 = arith.addf %dot_general3A_993, %concatenate3A_584 : vector<128x384xf32>
      %integer_pow3A_995 = arith.mulf %add3A_994, %add3A_994 : vector<128x384xf32>
      %integer_pow3A_996 = arith.mulf %add3A_994, %integer_pow3A_995 : vector<128x384xf32>
      %mul3A_997 = arith.constant 4.471500e-02 : f32
      %mul3A_998 = vector.broadcast %mul3A_997 : f32 to vector<128x384xf32>
      %mul3A_999 = arith.mulf %mul3A_998, %integer_pow3A_996 : vector<128x384xf32>
      %add3A_1000 = arith.addf %add3A_994, %mul3A_999 : vector<128x384xf32>
      %mul3A_1001 = arith.constant 0.797884583 : f32
      %mul3A_1002 = vector.broadcast %mul3A_1001 : f32 to vector<128x384xf32>
      %mul3A_1003 = arith.mulf %mul3A_1002, %add3A_1000 : vector<128x384xf32>
      %tanh3A_1004 = math.tanh %mul3A_1003 : vector<128x384xf32>
      %add3A_1005 = arith.constant 1.000000e+00 : f32
      %add3A_1006 = vector.broadcast %add3A_1005 : f32 to vector<128x384xf32>
      %add3A_1007 = arith.addf %add3A_1006, %tanh3A_1004 : vector<128x384xf32>
      %mul3A_1008 = arith.constant 5.000000e-01 : f32
      %mul3A_1009 = vector.broadcast %mul3A_1008 : f32 to vector<128x384xf32>
      %mul3A_1010 = arith.mulf %mul3A_1009, %add3A_1007 : vector<128x384xf32>
      %mul3A_1011 = arith.mulf %add3A_994, %mul3A_1010 : vector<128x384xf32>
      %mul3A_1012 = arith.constant 8 : i32
      %mul3A_1013 = arith.muli %while3A_983, %mul3A_1012 : i32
      %sub3A_1014 = arith.subi %get3A_586, %mul3A_1013 : i32
      %mul3A_1015 = arith.constant 16 : i32
      %mul3A_1016 = arith.muli %sub3A_1014, %mul3A_1015 : i32
      %lt3A = vector.broadcast %mul3A_1016 : i32 to vector<1x128xi32>
      %lt3A_1017 = arith.cmpi slt, %iota3A, %lt3A : vector<1x128xi32>
      %convert_element_type3A_1018 = arith.extui %lt3A_1017 : vector<1x128xi1> to vector<1x128xi32>
      %convert_element_type3A_1019 = arith.sitofp %convert_element_type3A_1018 : vector<1x128xi32> to vector<1x128xf32>
      %convert_element_type3A_1020 = arith.truncf %convert_element_type3A_1019 : vector<1x128xf32> to vector<1x128xbf16>
      %convert_element_type3A_1021 = arith.truncf %mul3A_1011 : vector<128x384xf32> to vector<128x384xbf16>
      %dot_general3A_1022 = arith.constant dense<0.000000e+00> : vector<1x384xf32>
      %dot_general3A_1023 = tpu.matmul %convert_element_type3A_1020, %convert_element_type3A_1021, %dot_general3A_1022 {dimension_numbers = #tpu.dot_dimension_numbers<[1], [0], [0], [1], [0, 0, 1, 1], [], []>, transpose_lhs_hint = false} : vector<1x128xbf16>, vector<128x384xbf16>, vector<1x384xf32> -> vector<1x384xf32>
      %add3A_1024 = arith.addf %while3A_984, %dot_general3A_1023 : vector<1x384xf32>
      scf.yield %add3A_1024 : vector<1x384xf32>
    }
    %while3A_626 = arith.constant 1 : i32
    %while3A_627 = scf.for %while3A_983 = %while3A_623 to %while3A_619 step %while3A_626 iter_args(%while3A_984 = %while3A_625) -> (vector<1x384xf32>)  : i32 {
      %mul3A_985 = arith.constant 128 : i32
      %mul3A_986 = arith.muli %while3A_983, %mul3A_985 : i32
      %get3A_987 = arith.constant 10 : index
      %get3A_988 = arith.index_cast %mul3A_986 : i32 to index
      %get3A_989 = arith.constant 0 : index
      %get3A_990 = vector.load %arg2[%get3A_987, %get3A_988, %get3A_989] : memref<16x768x96xbf16, #tpu.memory_space<vmem>>, vector<1x128x96xbf16>
      %get3A_991 = vector.shape_cast %get3A_990 : vector<1x128x96xbf16> to vector<128x96xbf16>
      %dot_general3A_992 = arith.constant dense<0.000000e+00> : vector<128x384xf32>
      %dot_general3A_993 = tpu.matmul %get3A_991, %get3A_1, %dot_general3A_992 {dimension_numbers = #tpu.dot_dimension_numbers<[1], [0], [0], [1], [0, 0, 1, 1], [], []>, transpose_lhs_hint = false} : vector<128x96xbf16>, vector<96x384xbf16>, vector<128x384xf32> -> vector<128x384xf32>
      %add3A_994 = arith.addf %dot_general3A_993, %concatenate3A_584 : vector<128x384xf32>
      %integer_pow3A_995 = arith.mulf %add3A_994, %add3A_994 : vector<128x384xf32>
      %integer_pow3A_996 = arith.mulf %add3A_994, %integer_pow3A_995 : vector<128x384xf32>
      %mul3A_997 = arith.constant 4.471500e-02 : f32
      %mul3A_998 = vector.broadcast %mul3A_997 : f32 to vector<128x384xf32>
      %mul3A_999 = arith.mulf %mul3A_998, %integer_pow3A_996 : vector<128x384xf32>
      %add3A_1000 = arith.addf %add3A_994, %mul3A_999 : vector<128x384xf32>
      %mul3A_1001 = arith.constant 0.797884583 : f32
      %mul3A_1002 = vector.broadcast %mul3A_1001 : f32 to vector<128x384xf32>
      %mul3A_1003 = arith.mulf %mul3A_1002, %add3A_1000 : vector<128x384xf32>
      %tanh3A_1004 = math.tanh %mul3A_1003 : vector<128x384xf32>
      %add3A_1005 = arith.constant 1.000000e+00 : f32
      %add3A_1006 = vector.broadcast %add3A_1005 : f32 to vector<128x384xf32>
      %add3A_1007 = arith.addf %add3A_1006, %tanh3A_1004 : vector<128x384xf32>
      %mul3A_1008 = arith.constant 5.000000e-01 : f32
      %mul3A_1009 = vector.broadcast %mul3A_1008 : f32 to vector<128x384xf32>
      %mul3A_1010 = arith.mulf %mul3A_1009, %add3A_1007 : vector<128x384xf32>
      %mul3A_1011 = arith.mulf %add3A_994, %mul3A_1010 : vector<128x384xf32>
      %mul3A_1012 = arith.constant 8 : i32
      %mul3A_1013 = arith.muli %while3A_983, %mul3A_1012 : i32
      %sub3A_1014 = arith.subi %get3A_586, %mul3A_1013 : i32
      %mul3A_1015 = arith.constant 16 : i32
      %mul3A_1016 = arith.muli %sub3A_1014, %mul3A_1015 : i32
      %lt3A = vector.broadcast %mul3A_1016 : i32 to vector<1x128xi32>
      %lt3A_1017 = arith.cmpi slt, %iota3A, %lt3A : vector<1x128xi32>
      %convert_element_type3A_1018 = arith.extui %lt3A_1017 : vector<1x128xi1> to vector<1x128xi32>
      %convert_element_type3A_1019 = arith.sitofp %convert_element_type3A_1018 : vector<1x128xi32> to vector<1x128xf32>
      %convert_element_type3A_1020 = arith.truncf %convert_element_type3A_1019 : vector<1x128xf32> to vector<1x128xbf16>
      %convert_element_type3A_1021 = arith.truncf %mul3A_1011 : vector<128x384xf32> to vector<128x384xbf16>
      %dot_general3A_1022 = arith.constant dense<0.000000e+00> : vector<1x384xf32>
      %dot_general3A_1023 = tpu.matmul %convert_element_type3A_1020, %convert_element_type3A_1021, %dot_general3A_1022 {dimension_numbers = #tpu.dot_dimension_numbers<[1], [0], [0], [1], [0, 0, 1, 1], [], []>, transpose_lhs_hint = false} : vector<1x128xbf16>, vector<128x384xbf16>, vector<1x384xf32> -> vector<1x384xf32>
      %add3A_1024 = arith.addf %while3A_984, %dot_general3A_1023 : vector<1x384xf32>
      scf.yield %add3A_1024 : vector<1x384xf32>
    }
    %mul3A_628 = arith.constant 16 : i32
    %mul3A_629 = arith.muli %get3A_586, %mul3A_628 : i32
    %max3A_630 = arith.constant 1 : i32
    %max3A_631 = arith.maxsi %mul3A_629, %max3A_630 : i32
    %convert_element_type3A_632 = arith.sitofp %max3A_631 : i32 to f32
    %div3A_633 = vector.broadcast %convert_element_type3A_632 : f32 to vector<1x384xf32>
    %div3A_634 = arith.divf %while3A_627, %div3A_633 : vector<1x384xf32>
    %swap3A_635 = arith.constant 10 : index
    %swap3A_636 = arith.constant 0 : index
    %swap3A_637 = vector.load %arg11[%swap3A_635, %swap3A_636] : memref<16x384xf32, #tpu.memory_space<vmem>>, vector<1x384xf32>
    tpu.vector_store %arg11[%swap3A_635, %swap3A_636], %div3A_634 {strides = array<i32>} : memref<16x384xf32, #tpu.memory_space<vmem>>, vector<1x384xf32>,
    %get3A_638 = arith.constant 176 : index
    %get3A_639 = arith.constant 0 : index
    %get3A_640 = vector.load %arg5[%get3A_638, %get3A_639] : memref<256x384xf32, #tpu.memory_space<vmem>>, vector<16x384xf32>
    %add3A_641 = vector.broadcast %get3A_4 : vector<1x384xf32> to vector<16x384xf32>
    %add3A_642 = arith.addf %get3A_640, %add3A_641 : vector<16x384xf32>
    %concatenate3A_643 = tpu.concatenate %add3A_642, %add3A_642, %add3A_642, %add3A_642, %add3A_642, %add3A_642, %add3A_642, %add3A_642 in 0 : vector<16x384xf32>, vector<16x384xf32>, vector<16x384xf32>, vector<16x384xf32>, vector<16x384xf32>, vector<16x384xf32>, vector<16x384xf32>, vector<16x384xf32> -> vector<128x384xf32>
    %get3A_644 = arith.constant 11 : index
    %get3A_645 = memref.load %arg1[%get3A_644] : memref<16xi32, #tpu.memory_space<smem>>
    %add3A_646 = arith.constant 8 : i32
    %add3A_647 = arith.addi %get3A_645, %add3A_646 : i32
    %sub3A_648 = arith.constant 1 : i32
    %sub3A_649 = arith.subi %add3A_647, %sub3A_648 : i32
    %jit3A_650 = arith.constant 8 : i32
    %div3A_651 = arith.divsi %sub3A_649, %jit3A_650 : i32
    %sign3A_652 = arith.constant 0 : i32
    %sign3A_653 = arith.cmpi sgt, %sub3A_649, %sign3A_652 : i32
    %sign3A_654 = arith.extui %sign3A_653 : i1 to i32
    %sign3A_655 = arith.constant 0 : i32
    %sign3A_656 = arith.cmpi slt, %sub3A_649, %sign3A_655 : i32
    %sign3A_657 = arith.extui %sign3A_656 : i1 to i32
    %sign3A_658 = arith.subi %sign3A_654, %sign3A_657 : i32
    %sign3A_659 = arith.constant 0 : i32
    %sign3A_660 = arith.cmpi sgt, %jit3A_650, %sign3A_659 : i32
    %sign3A_661 = arith.extui %sign3A_660 : i1 to i32
    %sign3A_662 = arith.constant 0 : i32
    %sign3A_663 = arith.cmpi slt, %jit3A_650, %sign3A_662 : i32
    %sign3A_664 = arith.extui %sign3A_663 : i1 to i32
    %sign3A_665 = arith.subi %sign3A_661, %sign3A_664 : i32
    %ne3A_666 = arith.cmpi ne, %sign3A_658, %sign3A_665 : i32
    %rem3A_667 = arith.remsi %sub3A_649, %jit3A_650 : i32
    %ne3A_668 = arith.constant 0 : i32
    %ne3A_669 = arith.cmpi ne, %rem3A_667, %ne3A_668 : i32
    %and3A_670 = arith.andi %ne3A_666, %ne3A_669 : i1
    %sub3A_671 = arith.constant 1 : i32
    %sub3A_672 = arith.subi %div3A_651, %sub3A_671 : i32
    %select_n3A_673 = arith.select %and3A_670, %sub3A_672, %div3A_651 : i32
    %broadcast_in_dim3A_674 = arith.constant 0.000000e+00 : f32
    %broadcast_in_dim3A_675 = vector.broadcast %broadcast_in_dim3A_674 : f32 to vector<1x384xf32>
    %while3A_676 = arith.constant 0 : i32
    %while3A_677 = arith.subi %select_n3A_673, %while3A_676 : i32
    %while3A_678 = arith.addi %while3A_676, %while3A_677 : i32
    %while3A_679 = arith.constant 1 : i32
    %while3A_680 = arith.divsi %while3A_677, %while3A_679 : i32
    %while3A_681 = arith.muli %while3A_680, %while3A_679 : i32
    %while3A_682 = arith.addi %while3A_676, %while3A_681 : i32
    %while3A_683 = arith.constant 1 : i32
    %while3A_684 = scf.for %while3A_983 = %while3A_676 to %while3A_682 step %while3A_683 iter_args(%while3A_984 = %broadcast_in_dim3A_675) -> (vector<1x384xf32>)  : i32 {
      %mul3A_985 = arith.constant 128 : i32
      %mul3A_986 = arith.muli %while3A_983, %mul3A_985 : i32
      %get3A_987 = arith.constant 11 : index
      %get3A_988 = arith.index_cast %mul3A_986 : i32 to index
      %get3A_989 = arith.constant 0 : index
      %get3A_990 = vector.load %arg2[%get3A_987, %get3A_988, %get3A_989] : memref<16x768x96xbf16, #tpu.memory_space<vmem>>, vector<1x128x96xbf16>
      %get3A_991 = vector.shape_cast %get3A_990 : vector<1x128x96xbf16> to vector<128x96xbf16>
      %dot_general3A_992 = arith.constant dense<0.000000e+00> : vector<128x384xf32>
      %dot_general3A_993 = tpu.matmul %get3A_991, %get3A_1, %dot_general3A_992 {dimension_numbers = #tpu.dot_dimension_numbers<[1], [0], [0], [1], [0, 0, 1, 1], [], []>, transpose_lhs_hint = false} : vector<128x96xbf16>, vector<96x384xbf16>, vector<128x384xf32> -> vector<128x384xf32>
      %add3A_994 = arith.addf %dot_general3A_993, %concatenate3A_643 : vector<128x384xf32>
      %integer_pow3A_995 = arith.mulf %add3A_994, %add3A_994 : vector<128x384xf32>
      %integer_pow3A_996 = arith.mulf %add3A_994, %integer_pow3A_995 : vector<128x384xf32>
      %mul3A_997 = arith.constant 4.471500e-02 : f32
      %mul3A_998 = vector.broadcast %mul3A_997 : f32 to vector<128x384xf32>
      %mul3A_999 = arith.mulf %mul3A_998, %integer_pow3A_996 : vector<128x384xf32>
      %add3A_1000 = arith.addf %add3A_994, %mul3A_999 : vector<128x384xf32>
      %mul3A_1001 = arith.constant 0.797884583 : f32
      %mul3A_1002 = vector.broadcast %mul3A_1001 : f32 to vector<128x384xf32>
      %mul3A_1003 = arith.mulf %mul3A_1002, %add3A_1000 : vector<128x384xf32>
      %tanh3A_1004 = math.tanh %mul3A_1003 : vector<128x384xf32>
      %add3A_1005 = arith.constant 1.000000e+00 : f32
      %add3A_1006 = vector.broadcast %add3A_1005 : f32 to vector<128x384xf32>
      %add3A_1007 = arith.addf %add3A_1006, %tanh3A_1004 : vector<128x384xf32>
      %mul3A_1008 = arith.constant 5.000000e-01 : f32
      %mul3A_1009 = vector.broadcast %mul3A_1008 : f32 to vector<128x384xf32>
      %mul3A_1010 = arith.mulf %mul3A_1009, %add3A_1007 : vector<128x384xf32>
      %mul3A_1011 = arith.mulf %add3A_994, %mul3A_1010 : vector<128x384xf32>
      %mul3A_1012 = arith.constant 8 : i32
      %mul3A_1013 = arith.muli %while3A_983, %mul3A_1012 : i32
      %sub3A_1014 = arith.subi %get3A_645, %mul3A_1013 : i32
      %mul3A_1015 = arith.constant 16 : i32
      %mul3A_1016 = arith.muli %sub3A_1014, %mul3A_1015 : i32
      %lt3A = vector.broadcast %mul3A_1016 : i32 to vector<1x128xi32>
      %lt3A_1017 = arith.cmpi slt, %iota3A, %lt3A : vector<1x128xi32>
      %convert_element_type3A_1018 = arith.extui %lt3A_1017 : vector<1x128xi1> to vector<1x128xi32>
      %convert_element_type3A_1019 = arith.sitofp %convert_element_type3A_1018 : vector<1x128xi32> to vector<1x128xf32>
      %convert_element_type3A_1020 = arith.truncf %convert_element_type3A_1019 : vector<1x128xf32> to vector<1x128xbf16>
      %convert_element_type3A_1021 = arith.truncf %mul3A_1011 : vector<128x384xf32> to vector<128x384xbf16>
      %dot_general3A_1022 = arith.constant dense<0.000000e+00> : vector<1x384xf32>
      %dot_general3A_1023 = tpu.matmul %convert_element_type3A_1020, %convert_element_type3A_1021, %dot_general3A_1022 {dimension_numbers = #tpu.dot_dimension_numbers<[1], [0], [0], [1], [0, 0, 1, 1], [], []>, transpose_lhs_hint = false} : vector<1x128xbf16>, vector<128x384xbf16>, vector<1x384xf32> -> vector<1x384xf32>
      %add3A_1024 = arith.addf %while3A_984, %dot_general3A_1023 : vector<1x384xf32>
      scf.yield %add3A_1024 : vector<1x384xf32>
    }
    %while3A_685 = arith.constant 1 : i32
    %while3A_686 = scf.for %while3A_983 = %while3A_682 to %while3A_678 step %while3A_685 iter_args(%while3A_984 = %while3A_684) -> (vector<1x384xf32>)  : i32 {
      %mul3A_985 = arith.constant 128 : i32
      %mul3A_986 = arith.muli %while3A_983, %mul3A_985 : i32
      %get3A_987 = arith.constant 11 : index
      %get3A_988 = arith.index_cast %mul3A_986 : i32 to index
      %get3A_989 = arith.constant 0 : index
      %get3A_990 = vector.load %arg2[%get3A_987, %get3A_988, %get3A_989] : memref<16x768x96xbf16, #tpu.memory_space<vmem>>, vector<1x128x96xbf16>
      %get3A_991 = vector.shape_cast %get3A_990 : vector<1x128x96xbf16> to vector<128x96xbf16>
      %dot_general3A_992 = arith.constant dense<0.000000e+00> : vector<128x384xf32>
      %dot_general3A_993 = tpu.matmul %get3A_991, %get3A_1, %dot_general3A_992 {dimension_numbers = #tpu.dot_dimension_numbers<[1], [0], [0], [1], [0, 0, 1, 1], [], []>, transpose_lhs_hint = false} : vector<128x96xbf16>, vector<96x384xbf16>, vector<128x384xf32> -> vector<128x384xf32>
      %add3A_994 = arith.addf %dot_general3A_993, %concatenate3A_643 : vector<128x384xf32>
      %integer_pow3A_995 = arith.mulf %add3A_994, %add3A_994 : vector<128x384xf32>
      %integer_pow3A_996 = arith.mulf %add3A_994, %integer_pow3A_995 : vector<128x384xf32>
      %mul3A_997 = arith.constant 4.471500e-02 : f32
      %mul3A_998 = vector.broadcast %mul3A_997 : f32 to vector<128x384xf32>
      %mul3A_999 = arith.mulf %mul3A_998, %integer_pow3A_996 : vector<128x384xf32>
      %add3A_1000 = arith.addf %add3A_994, %mul3A_999 : vector<128x384xf32>
      %mul3A_1001 = arith.constant 0.797884583 : f32
      %mul3A_1002 = vector.broadcast %mul3A_1001 : f32 to vector<128x384xf32>
      %mul3A_1003 = arith.mulf %mul3A_1002, %add3A_1000 : vector<128x384xf32>
      %tanh3A_1004 = math.tanh %mul3A_1003 : vector<128x384xf32>
      %add3A_1005 = arith.constant 1.000000e+00 : f32
      %add3A_1006 = vector.broadcast %add3A_1005 : f32 to vector<128x384xf32>
      %add3A_1007 = arith.addf %add3A_1006, %tanh3A_1004 : vector<128x384xf32>
      %mul3A_1008 = arith.constant 5.000000e-01 : f32
      %mul3A_1009 = vector.broadcast %mul3A_1008 : f32 to vector<128x384xf32>
      %mul3A_1010 = arith.mulf %mul3A_1009, %add3A_1007 : vector<128x384xf32>
      %mul3A_1011 = arith.mulf %add3A_994, %mul3A_1010 : vector<128x384xf32>
      %mul3A_1012 = arith.constant 8 : i32
      %mul3A_1013 = arith.muli %while3A_983, %mul3A_1012 : i32
      %sub3A_1014 = arith.subi %get3A_645, %mul3A_1013 : i32
      %mul3A_1015 = arith.constant 16 : i32
      %mul3A_1016 = arith.muli %sub3A_1014, %mul3A_1015 : i32
      %lt3A = vector.broadcast %mul3A_1016 : i32 to vector<1x128xi32>
      %lt3A_1017 = arith.cmpi slt, %iota3A, %lt3A : vector<1x128xi32>
      %convert_element_type3A_1018 = arith.extui %lt3A_1017 : vector<1x128xi1> to vector<1x128xi32>
      %convert_element_type3A_1019 = arith.sitofp %convert_element_type3A_1018 : vector<1x128xi32> to vector<1x128xf32>
      %convert_element_type3A_1020 = arith.truncf %convert_element_type3A_1019 : vector<1x128xf32> to vector<1x128xbf16>
      %convert_element_type3A_1021 = arith.truncf %mul3A_1011 : vector<128x384xf32> to vector<128x384xbf16>
      %dot_general3A_1022 = arith.constant dense<0.000000e+00> : vector<1x384xf32>
      %dot_general3A_1023 = tpu.matmul %convert_element_type3A_1020, %convert_element_type3A_1021, %dot_general3A_1022 {dimension_numbers = #tpu.dot_dimension_numbers<[1], [0], [0], [1], [0, 0, 1, 1], [], []>, transpose_lhs_hint = false} : vector<1x128xbf16>, vector<128x384xbf16>, vector<1x384xf32> -> vector<1x384xf32>
      %add3A_1024 = arith.addf %while3A_984, %dot_general3A_1023 : vector<1x384xf32>
      scf.yield %add3A_1024 : vector<1x384xf32>
    }
    %mul3A_687 = arith.constant 16 : i32
    %mul3A_688 = arith.muli %get3A_645, %mul3A_687 : i32
    %max3A_689 = arith.constant 1 : i32
    %max3A_690 = arith.maxsi %mul3A_688, %max3A_689 : i32
    %convert_element_type3A_691 = arith.sitofp %max3A_690 : i32 to f32
    %div3A_692 = vector.broadcast %convert_element_type3A_691 : f32 to vector<1x384xf32>
    %div3A_693 = arith.divf %while3A_686, %div3A_692 : vector<1x384xf32>
    %swap3A_694 = arith.constant 11 : index
    %swap3A_695 = arith.constant 0 : index
    %swap3A_696 = vector.load %arg11[%swap3A_694, %swap3A_695] : memref<16x384xf32, #tpu.memory_space<vmem>>, vector<1x384xf32>
    tpu.vector_store %arg11[%swap3A_694, %swap3A_695], %div3A_693 {strides = array<i32>} : memref<16x384xf32, #tpu.memory_space<vmem>>, vector<1x384xf32>,
    %get3A_697 = arith.constant 192 : index
    %get3A_698 = arith.constant 0 : index
    %get3A_699 = vector.load %arg5[%get3A_697, %get3A_698] : memref<256x384xf32, #tpu.memory_space<vmem>>, vector<16x384xf32>
    %add3A_700 = vector.broadcast %get3A_4 : vector<1x384xf32> to vector<16x384xf32>
    %add3A_701 = arith.addf %get3A_699, %add3A_700 : vector<16x384xf32>
    %concatenate3A_702 = tpu.concatenate %add3A_701, %add3A_701, %add3A_701, %add3A_701, %add3A_701, %add3A_701, %add3A_701, %add3A_701 in 0 : vector<16x384xf32>, vector<16x384xf32>, vector<16x384xf32>, vector<16x384xf32>, vector<16x384xf32>, vector<16x384xf32>, vector<16x384xf32>, vector<16x384xf32> -> vector<128x384xf32>
    %get3A_703 = arith.constant 12 : index
    %get3A_704 = memref.load %arg1[%get3A_703] : memref<16xi32, #tpu.memory_space<smem>>
    %add3A_705 = arith.constant 8 : i32
    %add3A_706 = arith.addi %get3A_704, %add3A_705 : i32
    %sub3A_707 = arith.constant 1 : i32
    %sub3A_708 = arith.subi %add3A_706, %sub3A_707 : i32
    %jit3A_709 = arith.constant 8 : i32
    %div3A_710 = arith.divsi %sub3A_708, %jit3A_709 : i32
    %sign3A_711 = arith.constant 0 : i32
    %sign3A_712 = arith.cmpi sgt, %sub3A_708, %sign3A_711 : i32
    %sign3A_713 = arith.extui %sign3A_712 : i1 to i32
    %sign3A_714 = arith.constant 0 : i32
    %sign3A_715 = arith.cmpi slt, %sub3A_708, %sign3A_714 : i32
    %sign3A_716 = arith.extui %sign3A_715 : i1 to i32
    %sign3A_717 = arith.subi %sign3A_713, %sign3A_716 : i32
    %sign3A_718 = arith.constant 0 : i32
    %sign3A_719 = arith.cmpi sgt, %jit3A_709, %sign3A_718 : i32
    %sign3A_720 = arith.extui %sign3A_719 : i1 to i32
    %sign3A_721 = arith.constant 0 : i32
    %sign3A_722 = arith.cmpi slt, %jit3A_709, %sign3A_721 : i32
    %sign3A_723 = arith.extui %sign3A_722 : i1 to i32
    %sign3A_724 = arith.subi %sign3A_720, %sign3A_723 : i32
    %ne3A_725 = arith.cmpi ne, %sign3A_717, %sign3A_724 : i32
    %rem3A_726 = arith.remsi %sub3A_708, %jit3A_709 : i32
    %ne3A_727 = arith.constant 0 : i32
    %ne3A_728 = arith.cmpi ne, %rem3A_726, %ne3A_727 : i32
    %and3A_729 = arith.andi %ne3A_725, %ne3A_728 : i1
    %sub3A_730 = arith.constant 1 : i32
    %sub3A_731 = arith.subi %div3A_710, %sub3A_730 : i32
    %select_n3A_732 = arith.select %and3A_729, %sub3A_731, %div3A_710 : i32
    %broadcast_in_dim3A_733 = arith.constant 0.000000e+00 : f32
    %broadcast_in_dim3A_734 = vector.broadcast %broadcast_in_dim3A_733 : f32 to vector<1x384xf32>
    %while3A_735 = arith.constant 0 : i32
    %while3A_736 = arith.subi %select_n3A_732, %while3A_735 : i32
    %while3A_737 = arith.addi %while3A_735, %while3A_736 : i32
    %while3A_738 = arith.constant 1 : i32
    %while3A_739 = arith.divsi %while3A_736, %while3A_738 : i32
    %while3A_740 = arith.muli %while3A_739, %while3A_738 : i32
    %while3A_741 = arith.addi %while3A_735, %while3A_740 : i32
    %while3A_742 = arith.constant 1 : i32
    %while3A_743 = scf.for %while3A_983 = %while3A_735 to %while3A_741 step %while3A_742 iter_args(%while3A_984 = %broadcast_in_dim3A_734) -> (vector<1x384xf32>)  : i32 {
      %mul3A_985 = arith.constant 128 : i32
      %mul3A_986 = arith.muli %while3A_983, %mul3A_985 : i32
      %get3A_987 = arith.constant 12 : index
      %get3A_988 = arith.index_cast %mul3A_986 : i32 to index
      %get3A_989 = arith.constant 0 : index
      %get3A_990 = vector.load %arg2[%get3A_987, %get3A_988, %get3A_989] : memref<16x768x96xbf16, #tpu.memory_space<vmem>>, vector<1x128x96xbf16>
      %get3A_991 = vector.shape_cast %get3A_990 : vector<1x128x96xbf16> to vector<128x96xbf16>
      %dot_general3A_992 = arith.constant dense<0.000000e+00> : vector<128x384xf32>
      %dot_general3A_993 = tpu.matmul %get3A_991, %get3A_1, %dot_general3A_992 {dimension_numbers = #tpu.dot_dimension_numbers<[1], [0], [0], [1], [0, 0, 1, 1], [], []>, transpose_lhs_hint = false} : vector<128x96xbf16>, vector<96x384xbf16>, vector<128x384xf32> -> vector<128x384xf32>
      %add3A_994 = arith.addf %dot_general3A_993, %concatenate3A_702 : vector<128x384xf32>
      %integer_pow3A_995 = arith.mulf %add3A_994, %add3A_994 : vector<128x384xf32>
      %integer_pow3A_996 = arith.mulf %add3A_994, %integer_pow3A_995 : vector<128x384xf32>
      %mul3A_997 = arith.constant 4.471500e-02 : f32
      %mul3A_998 = vector.broadcast %mul3A_997 : f32 to vector<128x384xf32>
      %mul3A_999 = arith.mulf %mul3A_998, %integer_pow3A_996 : vector<128x384xf32>
      %add3A_1000 = arith.addf %add3A_994, %mul3A_999 : vector<128x384xf32>
      %mul3A_1001 = arith.constant 0.797884583 : f32
      %mul3A_1002 = vector.broadcast %mul3A_1001 : f32 to vector<128x384xf32>
      %mul3A_1003 = arith.mulf %mul3A_1002, %add3A_1000 : vector<128x384xf32>
      %tanh3A_1004 = math.tanh %mul3A_1003 : vector<128x384xf32>
      %add3A_1005 = arith.constant 1.000000e+00 : f32
      %add3A_1006 = vector.broadcast %add3A_1005 : f32 to vector<128x384xf32>
      %add3A_1007 = arith.addf %add3A_1006, %tanh3A_1004 : vector<128x384xf32>
      %mul3A_1008 = arith.constant 5.000000e-01 : f32
      %mul3A_1009 = vector.broadcast %mul3A_1008 : f32 to vector<128x384xf32>
      %mul3A_1010 = arith.mulf %mul3A_1009, %add3A_1007 : vector<128x384xf32>
      %mul3A_1011 = arith.mulf %add3A_994, %mul3A_1010 : vector<128x384xf32>
      %mul3A_1012 = arith.constant 8 : i32
      %mul3A_1013 = arith.muli %while3A_983, %mul3A_1012 : i32
      %sub3A_1014 = arith.subi %get3A_704, %mul3A_1013 : i32
      %mul3A_1015 = arith.constant 16 : i32
      %mul3A_1016 = arith.muli %sub3A_1014, %mul3A_1015 : i32
      %lt3A = vector.broadcast %mul3A_1016 : i32 to vector<1x128xi32>
      %lt3A_1017 = arith.cmpi slt, %iota3A, %lt3A : vector<1x128xi32>
      %convert_element_type3A_1018 = arith.extui %lt3A_1017 : vector<1x128xi1> to vector<1x128xi32>
      %convert_element_type3A_1019 = arith.sitofp %convert_element_type3A_1018 : vector<1x128xi32> to vector<1x128xf32>
      %convert_element_type3A_1020 = arith.truncf %convert_element_type3A_1019 : vector<1x128xf32> to vector<1x128xbf16>
      %convert_element_type3A_1021 = arith.truncf %mul3A_1011 : vector<128x384xf32> to vector<128x384xbf16>
      %dot_general3A_1022 = arith.constant dense<0.000000e+00> : vector<1x384xf32>
      %dot_general3A_1023 = tpu.matmul %convert_element_type3A_1020, %convert_element_type3A_1021, %dot_general3A_1022 {dimension_numbers = #tpu.dot_dimension_numbers<[1], [0], [0], [1], [0, 0, 1, 1], [], []>, transpose_lhs_hint = false} : vector<1x128xbf16>, vector<128x384xbf16>, vector<1x384xf32> -> vector<1x384xf32>
      %add3A_1024 = arith.addf %while3A_984, %dot_general3A_1023 : vector<1x384xf32>
      scf.yield %add3A_1024 : vector<1x384xf32>
    }
    %while3A_744 = arith.constant 1 : i32
    %while3A_745 = scf.for %while3A_983 = %while3A_741 to %while3A_737 step %while3A_744 iter_args(%while3A_984 = %while3A_743) -> (vector<1x384xf32>)  : i32 {
      %mul3A_985 = arith.constant 128 : i32
      %mul3A_986 = arith.muli %while3A_983, %mul3A_985 : i32
      %get3A_987 = arith.constant 12 : index
      %get3A_988 = arith.index_cast %mul3A_986 : i32 to index
      %get3A_989 = arith.constant 0 : index
      %get3A_990 = vector.load %arg2[%get3A_987, %get3A_988, %get3A_989] : memref<16x768x96xbf16, #tpu.memory_space<vmem>>, vector<1x128x96xbf16>
      %get3A_991 = vector.shape_cast %get3A_990 : vector<1x128x96xbf16> to vector<128x96xbf16>
      %dot_general3A_992 = arith.constant dense<0.000000e+00> : vector<128x384xf32>
      %dot_general3A_993 = tpu.matmul %get3A_991, %get3A_1, %dot_general3A_992 {dimension_numbers = #tpu.dot_dimension_numbers<[1], [0], [0], [1], [0, 0, 1, 1], [], []>, transpose_lhs_hint = false} : vector<128x96xbf16>, vector<96x384xbf16>, vector<128x384xf32> -> vector<128x384xf32>
      %add3A_994 = arith.addf %dot_general3A_993, %concatenate3A_702 : vector<128x384xf32>
      %integer_pow3A_995 = arith.mulf %add3A_994, %add3A_994 : vector<128x384xf32>
      %integer_pow3A_996 = arith.mulf %add3A_994, %integer_pow3A_995 : vector<128x384xf32>
      %mul3A_997 = arith.constant 4.471500e-02 : f32
      %mul3A_998 = vector.broadcast %mul3A_997 : f32 to vector<128x384xf32>
      %mul3A_999 = arith.mulf %mul3A_998, %integer_pow3A_996 : vector<128x384xf32>
      %add3A_1000 = arith.addf %add3A_994, %mul3A_999 : vector<128x384xf32>
      %mul3A_1001 = arith.constant 0.797884583 : f32
      %mul3A_1002 = vector.broadcast %mul3A_1001 : f32 to vector<128x384xf32>
      %mul3A_1003 = arith.mulf %mul3A_1002, %add3A_1000 : vector<128x384xf32>
      %tanh3A_1004 = math.tanh %mul3A_1003 : vector<128x384xf32>
      %add3A_1005 = arith.constant 1.000000e+00 : f32
      %add3A_1006 = vector.broadcast %add3A_1005 : f32 to vector<128x384xf32>
      %add3A_1007 = arith.addf %add3A_1006, %tanh3A_1004 : vector<128x384xf32>
      %mul3A_1008 = arith.constant 5.000000e-01 : f32
      %mul3A_1009 = vector.broadcast %mul3A_1008 : f32 to vector<128x384xf32>
      %mul3A_1010 = arith.mulf %mul3A_1009, %add3A_1007 : vector<128x384xf32>
      %mul3A_1011 = arith.mulf %add3A_994, %mul3A_1010 : vector<128x384xf32>
      %mul3A_1012 = arith.constant 8 : i32
      %mul3A_1013 = arith.muli %while3A_983, %mul3A_1012 : i32
      %sub3A_1014 = arith.subi %get3A_704, %mul3A_1013 : i32
      %mul3A_1015 = arith.constant 16 : i32
      %mul3A_1016 = arith.muli %sub3A_1014, %mul3A_1015 : i32
      %lt3A = vector.broadcast %mul3A_1016 : i32 to vector<1x128xi32>
      %lt3A_1017 = arith.cmpi slt, %iota3A, %lt3A : vector<1x128xi32>
      %convert_element_type3A_1018 = arith.extui %lt3A_1017 : vector<1x128xi1> to vector<1x128xi32>
      %convert_element_type3A_1019 = arith.sitofp %convert_element_type3A_1018 : vector<1x128xi32> to vector<1x128xf32>
      %convert_element_type3A_1020 = arith.truncf %convert_element_type3A_1019 : vector<1x128xf32> to vector<1x128xbf16>
      %convert_element_type3A_1021 = arith.truncf %mul3A_1011 : vector<128x384xf32> to vector<128x384xbf16>
      %dot_general3A_1022 = arith.constant dense<0.000000e+00> : vector<1x384xf32>
      %dot_general3A_1023 = tpu.matmul %convert_element_type3A_1020, %convert_element_type3A_1021, %dot_general3A_1022 {dimension_numbers = #tpu.dot_dimension_numbers<[1], [0], [0], [1], [0, 0, 1, 1], [], []>, transpose_lhs_hint = false} : vector<1x128xbf16>, vector<128x384xbf16>, vector<1x384xf32> -> vector<1x384xf32>
      %add3A_1024 = arith.addf %while3A_984, %dot_general3A_1023 : vector<1x384xf32>
      scf.yield %add3A_1024 : vector<1x384xf32>
    }
    %mul3A_746 = arith.constant 16 : i32
    %mul3A_747 = arith.muli %get3A_704, %mul3A_746 : i32
    %max3A_748 = arith.constant 1 : i32
    %max3A_749 = arith.maxsi %mul3A_747, %max3A_748 : i32
    %convert_element_type3A_750 = arith.sitofp %max3A_749 : i32 to f32
    %div3A_751 = vector.broadcast %convert_element_type3A_750 : f32 to vector<1x384xf32>
    %div3A_752 = arith.divf %while3A_745, %div3A_751 : vector<1x384xf32>
    %swap3A_753 = arith.constant 12 : index
    %swap3A_754 = arith.constant 0 : index
    %swap3A_755 = vector.load %arg11[%swap3A_753, %swap3A_754] : memref<16x384xf32, #tpu.memory_space<vmem>>, vector<1x384xf32>
    tpu.vector_store %arg11[%swap3A_753, %swap3A_754], %div3A_752 {strides = array<i32>} : memref<16x384xf32, #tpu.memory_space<vmem>>, vector<1x384xf32>,
    %get3A_756 = arith.constant 208 : index
    %get3A_757 = arith.constant 0 : index
    %get3A_758 = vector.load %arg5[%get3A_756, %get3A_757] : memref<256x384xf32, #tpu.memory_space<vmem>>, vector<16x384xf32>
    %add3A_759 = vector.broadcast %get3A_4 : vector<1x384xf32> to vector<16x384xf32>
    %add3A_760 = arith.addf %get3A_758, %add3A_759 : vector<16x384xf32>
    %concatenate3A_761 = tpu.concatenate %add3A_760, %add3A_760, %add3A_760, %add3A_760, %add3A_760, %add3A_760, %add3A_760, %add3A_760 in 0 : vector<16x384xf32>, vector<16x384xf32>, vector<16x384xf32>, vector<16x384xf32>, vector<16x384xf32>, vector<16x384xf32>, vector<16x384xf32>, vector<16x384xf32> -> vector<128x384xf32>
    %get3A_762 = arith.constant 13 : index
    %get3A_763 = memref.load %arg1[%get3A_762] : memref<16xi32, #tpu.memory_space<smem>>
    %add3A_764 = arith.constant 8 : i32
    %add3A_765 = arith.addi %get3A_763, %add3A_764 : i32
    %sub3A_766 = arith.constant 1 : i32
    %sub3A_767 = arith.subi %add3A_765, %sub3A_766 : i32
    %jit3A_768 = arith.constant 8 : i32
    %div3A_769 = arith.divsi %sub3A_767, %jit3A_768 : i32
    %sign3A_770 = arith.constant 0 : i32
    %sign3A_771 = arith.cmpi sgt, %sub3A_767, %sign3A_770 : i32
    %sign3A_772 = arith.extui %sign3A_771 : i1 to i32
    %sign3A_773 = arith.constant 0 : i32
    %sign3A_774 = arith.cmpi slt, %sub3A_767, %sign3A_773 : i32
    %sign3A_775 = arith.extui %sign3A_774 : i1 to i32
    %sign3A_776 = arith.subi %sign3A_772, %sign3A_775 : i32
    %sign3A_777 = arith.constant 0 : i32
    %sign3A_778 = arith.cmpi sgt, %jit3A_768, %sign3A_777 : i32
    %sign3A_779 = arith.extui %sign3A_778 : i1 to i32
    %sign3A_780 = arith.constant 0 : i32
    %sign3A_781 = arith.cmpi slt, %jit3A_768, %sign3A_780 : i32
    %sign3A_782 = arith.extui %sign3A_781 : i1 to i32
    %sign3A_783 = arith.subi %sign3A_779, %sign3A_782 : i32
    %ne3A_784 = arith.cmpi ne, %sign3A_776, %sign3A_783 : i32
    %rem3A_785 = arith.remsi %sub3A_767, %jit3A_768 : i32
    %ne3A_786 = arith.constant 0 : i32
    %ne3A_787 = arith.cmpi ne, %rem3A_785, %ne3A_786 : i32
    %and3A_788 = arith.andi %ne3A_784, %ne3A_787 : i1
    %sub3A_789 = arith.constant 1 : i32
    %sub3A_790 = arith.subi %div3A_769, %sub3A_789 : i32
    %select_n3A_791 = arith.select %and3A_788, %sub3A_790, %div3A_769 : i32
    %broadcast_in_dim3A_792 = arith.constant 0.000000e+00 : f32
    %broadcast_in_dim3A_793 = vector.broadcast %broadcast_in_dim3A_792 : f32 to vector<1x384xf32>
    %while3A_794 = arith.constant 0 : i32
    %while3A_795 = arith.subi %select_n3A_791, %while3A_794 : i32
    %while3A_796 = arith.addi %while3A_794, %while3A_795 : i32
    %while3A_797 = arith.constant 1 : i32
    %while3A_798 = arith.divsi %while3A_795, %while3A_797 : i32
    %while3A_799 = arith.muli %while3A_798, %while3A_797 : i32
    %while3A_800 = arith.addi %while3A_794, %while3A_799 : i32
    %while3A_801 = arith.constant 1 : i32
    %while3A_802 = scf.for %while3A_983 = %while3A_794 to %while3A_800 step %while3A_801 iter_args(%while3A_984 = %broadcast_in_dim3A_793) -> (vector<1x384xf32>)  : i32 {
      %mul3A_985 = arith.constant 128 : i32
      %mul3A_986 = arith.muli %while3A_983, %mul3A_985 : i32
      %get3A_987 = arith.constant 13 : index
      %get3A_988 = arith.index_cast %mul3A_986 : i32 to index
      %get3A_989 = arith.constant 0 : index
      %get3A_990 = vector.load %arg2[%get3A_987, %get3A_988, %get3A_989] : memref<16x768x96xbf16, #tpu.memory_space<vmem>>, vector<1x128x96xbf16>
      %get3A_991 = vector.shape_cast %get3A_990 : vector<1x128x96xbf16> to vector<128x96xbf16>
      %dot_general3A_992 = arith.constant dense<0.000000e+00> : vector<128x384xf32>
      %dot_general3A_993 = tpu.matmul %get3A_991, %get3A_1, %dot_general3A_992 {dimension_numbers = #tpu.dot_dimension_numbers<[1], [0], [0], [1], [0, 0, 1, 1], [], []>, transpose_lhs_hint = false} : vector<128x96xbf16>, vector<96x384xbf16>, vector<128x384xf32> -> vector<128x384xf32>
      %add3A_994 = arith.addf %dot_general3A_993, %concatenate3A_761 : vector<128x384xf32>
      %integer_pow3A_995 = arith.mulf %add3A_994, %add3A_994 : vector<128x384xf32>
      %integer_pow3A_996 = arith.mulf %add3A_994, %integer_pow3A_995 : vector<128x384xf32>
      %mul3A_997 = arith.constant 4.471500e-02 : f32
      %mul3A_998 = vector.broadcast %mul3A_997 : f32 to vector<128x384xf32>
      %mul3A_999 = arith.mulf %mul3A_998, %integer_pow3A_996 : vector<128x384xf32>
      %add3A_1000 = arith.addf %add3A_994, %mul3A_999 : vector<128x384xf32>
      %mul3A_1001 = arith.constant 0.797884583 : f32
      %mul3A_1002 = vector.broadcast %mul3A_1001 : f32 to vector<128x384xf32>
      %mul3A_1003 = arith.mulf %mul3A_1002, %add3A_1000 : vector<128x384xf32>
      %tanh3A_1004 = math.tanh %mul3A_1003 : vector<128x384xf32>
      %add3A_1005 = arith.constant 1.000000e+00 : f32
      %add3A_1006 = vector.broadcast %add3A_1005 : f32 to vector<128x384xf32>
      %add3A_1007 = arith.addf %add3A_1006, %tanh3A_1004 : vector<128x384xf32>
      %mul3A_1008 = arith.constant 5.000000e-01 : f32
      %mul3A_1009 = vector.broadcast %mul3A_1008 : f32 to vector<128x384xf32>
      %mul3A_1010 = arith.mulf %mul3A_1009, %add3A_1007 : vector<128x384xf32>
      %mul3A_1011 = arith.mulf %add3A_994, %mul3A_1010 : vector<128x384xf32>
      %mul3A_1012 = arith.constant 8 : i32
      %mul3A_1013 = arith.muli %while3A_983, %mul3A_1012 : i32
      %sub3A_1014 = arith.subi %get3A_763, %mul3A_1013 : i32
      %mul3A_1015 = arith.constant 16 : i32
      %mul3A_1016 = arith.muli %sub3A_1014, %mul3A_1015 : i32
      %lt3A = vector.broadcast %mul3A_1016 : i32 to vector<1x128xi32>
      %lt3A_1017 = arith.cmpi slt, %iota3A, %lt3A : vector<1x128xi32>
      %convert_element_type3A_1018 = arith.extui %lt3A_1017 : vector<1x128xi1> to vector<1x128xi32>
      %convert_element_type3A_1019 = arith.sitofp %convert_element_type3A_1018 : vector<1x128xi32> to vector<1x128xf32>
      %convert_element_type3A_1020 = arith.truncf %convert_element_type3A_1019 : vector<1x128xf32> to vector<1x128xbf16>
      %convert_element_type3A_1021 = arith.truncf %mul3A_1011 : vector<128x384xf32> to vector<128x384xbf16>
      %dot_general3A_1022 = arith.constant dense<0.000000e+00> : vector<1x384xf32>
      %dot_general3A_1023 = tpu.matmul %convert_element_type3A_1020, %convert_element_type3A_1021, %dot_general3A_1022 {dimension_numbers = #tpu.dot_dimension_numbers<[1], [0], [0], [1], [0, 0, 1, 1], [], []>, transpose_lhs_hint = false} : vector<1x128xbf16>, vector<128x384xbf16>, vector<1x384xf32> -> vector<1x384xf32>
      %add3A_1024 = arith.addf %while3A_984, %dot_general3A_1023 : vector<1x384xf32>
      scf.yield %add3A_1024 : vector<1x384xf32>
    }
    %while3A_803 = arith.constant 1 : i32
    %while3A_804 = scf.for %while3A_983 = %while3A_800 to %while3A_796 step %while3A_803 iter_args(%while3A_984 = %while3A_802) -> (vector<1x384xf32>)  : i32 {
      %mul3A_985 = arith.constant 128 : i32
      %mul3A_986 = arith.muli %while3A_983, %mul3A_985 : i32
      %get3A_987 = arith.constant 13 : index
      %get3A_988 = arith.index_cast %mul3A_986 : i32 to index
      %get3A_989 = arith.constant 0 : index
      %get3A_990 = vector.load %arg2[%get3A_987, %get3A_988, %get3A_989] : memref<16x768x96xbf16, #tpu.memory_space<vmem>>, vector<1x128x96xbf16>
      %get3A_991 = vector.shape_cast %get3A_990 : vector<1x128x96xbf16> to vector<128x96xbf16>
      %dot_general3A_992 = arith.constant dense<0.000000e+00> : vector<128x384xf32>
      %dot_general3A_993 = tpu.matmul %get3A_991, %get3A_1, %dot_general3A_992 {dimension_numbers = #tpu.dot_dimension_numbers<[1], [0], [0], [1], [0, 0, 1, 1], [], []>, transpose_lhs_hint = false} : vector<128x96xbf16>, vector<96x384xbf16>, vector<128x384xf32> -> vector<128x384xf32>
      %add3A_994 = arith.addf %dot_general3A_993, %concatenate3A_761 : vector<128x384xf32>
      %integer_pow3A_995 = arith.mulf %add3A_994, %add3A_994 : vector<128x384xf32>
      %integer_pow3A_996 = arith.mulf %add3A_994, %integer_pow3A_995 : vector<128x384xf32>
      %mul3A_997 = arith.constant 4.471500e-02 : f32
      %mul3A_998 = vector.broadcast %mul3A_997 : f32 to vector<128x384xf32>
      %mul3A_999 = arith.mulf %mul3A_998, %integer_pow3A_996 : vector<128x384xf32>
      %add3A_1000 = arith.addf %add3A_994, %mul3A_999 : vector<128x384xf32>
      %mul3A_1001 = arith.constant 0.797884583 : f32
      %mul3A_1002 = vector.broadcast %mul3A_1001 : f32 to vector<128x384xf32>
      %mul3A_1003 = arith.mulf %mul3A_1002, %add3A_1000 : vector<128x384xf32>
      %tanh3A_1004 = math.tanh %mul3A_1003 : vector<128x384xf32>
      %add3A_1005 = arith.constant 1.000000e+00 : f32
      %add3A_1006 = vector.broadcast %add3A_1005 : f32 to vector<128x384xf32>
      %add3A_1007 = arith.addf %add3A_1006, %tanh3A_1004 : vector<128x384xf32>
      %mul3A_1008 = arith.constant 5.000000e-01 : f32
      %mul3A_1009 = vector.broadcast %mul3A_1008 : f32 to vector<128x384xf32>
      %mul3A_1010 = arith.mulf %mul3A_1009, %add3A_1007 : vector<128x384xf32>
      %mul3A_1011 = arith.mulf %add3A_994, %mul3A_1010 : vector<128x384xf32>
      %mul3A_1012 = arith.constant 8 : i32
      %mul3A_1013 = arith.muli %while3A_983, %mul3A_1012 : i32
      %sub3A_1014 = arith.subi %get3A_763, %mul3A_1013 : i32
      %mul3A_1015 = arith.constant 16 : i32
      %mul3A_1016 = arith.muli %sub3A_1014, %mul3A_1015 : i32
      %lt3A = vector.broadcast %mul3A_1016 : i32 to vector<1x128xi32>
      %lt3A_1017 = arith.cmpi slt, %iota3A, %lt3A : vector<1x128xi32>
      %convert_element_type3A_1018 = arith.extui %lt3A_1017 : vector<1x128xi1> to vector<1x128xi32>
      %convert_element_type3A_1019 = arith.sitofp %convert_element_type3A_1018 : vector<1x128xi32> to vector<1x128xf32>
      %convert_element_type3A_1020 = arith.truncf %convert_element_type3A_1019 : vector<1x128xf32> to vector<1x128xbf16>
      %convert_element_type3A_1021 = arith.truncf %mul3A_1011 : vector<128x384xf32> to vector<128x384xbf16>
      %dot_general3A_1022 = arith.constant dense<0.000000e+00> : vector<1x384xf32>
      %dot_general3A_1023 = tpu.matmul %convert_element_type3A_1020, %convert_element_type3A_1021, %dot_general3A_1022 {dimension_numbers = #tpu.dot_dimension_numbers<[1], [0], [0], [1], [0, 0, 1, 1], [], []>, transpose_lhs_hint = false} : vector<1x128xbf16>, vector<128x384xbf16>, vector<1x384xf32> -> vector<1x384xf32>
      %add3A_1024 = arith.addf %while3A_984, %dot_general3A_1023 : vector<1x384xf32>
      scf.yield %add3A_1024 : vector<1x384xf32>
    }
    %mul3A_805 = arith.constant 16 : i32
    %mul3A_806 = arith.muli %get3A_763, %mul3A_805 : i32
    %max3A_807 = arith.constant 1 : i32
    %max3A_808 = arith.maxsi %mul3A_806, %max3A_807 : i32
    %convert_element_type3A_809 = arith.sitofp %max3A_808 : i32 to f32
    %div3A_810 = vector.broadcast %convert_element_type3A_809 : f32 to vector<1x384xf32>
    %div3A_811 = arith.divf %while3A_804, %div3A_810 : vector<1x384xf32>
    %swap3A_812 = arith.constant 13 : index
    %swap3A_813 = arith.constant 0 : index
    %swap3A_814 = vector.load %arg11[%swap3A_812, %swap3A_813] : memref<16x384xf32, #tpu.memory_space<vmem>>, vector<1x384xf32>
    tpu.vector_store %arg11[%swap3A_812, %swap3A_813], %div3A_811 {strides = array<i32>} : memref<16x384xf32, #tpu.memory_space<vmem>>, vector<1x384xf32>,
    %get3A_815 = arith.constant 224 : index
    %get3A_816 = arith.constant 0 : index
    %get3A_817 = vector.load %arg5[%get3A_815, %get3A_816] : memref<256x384xf32, #tpu.memory_space<vmem>>, vector<16x384xf32>
    %add3A_818 = vector.broadcast %get3A_4 : vector<1x384xf32> to vector<16x384xf32>
    %add3A_819 = arith.addf %get3A_817, %add3A_818 : vector<16x384xf32>
    %concatenate3A_820 = tpu.concatenate %add3A_819, %add3A_819, %add3A_819, %add3A_819, %add3A_819, %add3A_819, %add3A_819, %add3A_819 in 0 : vector<16x384xf32>, vector<16x384xf32>, vector<16x384xf32>, vector<16x384xf32>, vector<16x384xf32>, vector<16x384xf32>, vector<16x384xf32>, vector<16x384xf32> -> vector<128x384xf32>
    %get3A_821 = arith.constant 14 : index
    %get3A_822 = memref.load %arg1[%get3A_821] : memref<16xi32, #tpu.memory_space<smem>>
    %add3A_823 = arith.constant 8 : i32
    %add3A_824 = arith.addi %get3A_822, %add3A_823 : i32
    %sub3A_825 = arith.constant 1 : i32
    %sub3A_826 = arith.subi %add3A_824, %sub3A_825 : i32
    %jit3A_827 = arith.constant 8 : i32
    %div3A_828 = arith.divsi %sub3A_826, %jit3A_827 : i32
    %sign3A_829 = arith.constant 0 : i32
    %sign3A_830 = arith.cmpi sgt, %sub3A_826, %sign3A_829 : i32
    %sign3A_831 = arith.extui %sign3A_830 : i1 to i32
    %sign3A_832 = arith.constant 0 : i32
    %sign3A_833 = arith.cmpi slt, %sub3A_826, %sign3A_832 : i32
    %sign3A_834 = arith.extui %sign3A_833 : i1 to i32
    %sign3A_835 = arith.subi %sign3A_831, %sign3A_834 : i32
    %sign3A_836 = arith.constant 0 : i32
    %sign3A_837 = arith.cmpi sgt, %jit3A_827, %sign3A_836 : i32
    %sign3A_838 = arith.extui %sign3A_837 : i1 to i32
    %sign3A_839 = arith.constant 0 : i32
    %sign3A_840 = arith.cmpi slt, %jit3A_827, %sign3A_839 : i32
    %sign3A_841 = arith.extui %sign3A_840 : i1 to i32
    %sign3A_842 = arith.subi %sign3A_838, %sign3A_841 : i32
    %ne3A_843 = arith.cmpi ne, %sign3A_835, %sign3A_842 : i32
    %rem3A_844 = arith.remsi %sub3A_826, %jit3A_827 : i32
    %ne3A_845 = arith.constant 0 : i32
    %ne3A_846 = arith.cmpi ne, %rem3A_844, %ne3A_845 : i32
    %and3A_847 = arith.andi %ne3A_843, %ne3A_846 : i1
    %sub3A_848 = arith.constant 1 : i32
    %sub3A_849 = arith.subi %div3A_828, %sub3A_848 : i32
    %select_n3A_850 = arith.select %and3A_847, %sub3A_849, %div3A_828 : i32
    %broadcast_in_dim3A_851 = arith.constant 0.000000e+00 : f32
    %broadcast_in_dim3A_852 = vector.broadcast %broadcast_in_dim3A_851 : f32 to vector<1x384xf32>
    %while3A_853 = arith.constant 0 : i32
    %while3A_854 = arith.subi %select_n3A_850, %while3A_853 : i32
    %while3A_855 = arith.addi %while3A_853, %while3A_854 : i32
    %while3A_856 = arith.constant 1 : i32
    %while3A_857 = arith.divsi %while3A_854, %while3A_856 : i32
    %while3A_858 = arith.muli %while3A_857, %while3A_856 : i32
    %while3A_859 = arith.addi %while3A_853, %while3A_858 : i32
    %while3A_860 = arith.constant 1 : i32
    %while3A_861 = scf.for %while3A_983 = %while3A_853 to %while3A_859 step %while3A_860 iter_args(%while3A_984 = %broadcast_in_dim3A_852) -> (vector<1x384xf32>)  : i32 {
      %mul3A_985 = arith.constant 128 : i32
      %mul3A_986 = arith.muli %while3A_983, %mul3A_985 : i32
      %get3A_987 = arith.constant 14 : index
      %get3A_988 = arith.index_cast %mul3A_986 : i32 to index
      %get3A_989 = arith.constant 0 : index
      %get3A_990 = vector.load %arg2[%get3A_987, %get3A_988, %get3A_989] : memref<16x768x96xbf16, #tpu.memory_space<vmem>>, vector<1x128x96xbf16>
      %get3A_991 = vector.shape_cast %get3A_990 : vector<1x128x96xbf16> to vector<128x96xbf16>
      %dot_general3A_992 = arith.constant dense<0.000000e+00> : vector<128x384xf32>
      %dot_general3A_993 = tpu.matmul %get3A_991, %get3A_1, %dot_general3A_992 {dimension_numbers = #tpu.dot_dimension_numbers<[1], [0], [0], [1], [0, 0, 1, 1], [], []>, transpose_lhs_hint = false} : vector<128x96xbf16>, vector<96x384xbf16>, vector<128x384xf32> -> vector<128x384xf32>
      %add3A_994 = arith.addf %dot_general3A_993, %concatenate3A_820 : vector<128x384xf32>
      %integer_pow3A_995 = arith.mulf %add3A_994, %add3A_994 : vector<128x384xf32>
      %integer_pow3A_996 = arith.mulf %add3A_994, %integer_pow3A_995 : vector<128x384xf32>
      %mul3A_997 = arith.constant 4.471500e-02 : f32
      %mul3A_998 = vector.broadcast %mul3A_997 : f32 to vector<128x384xf32>
      %mul3A_999 = arith.mulf %mul3A_998, %integer_pow3A_996 : vector<128x384xf32>
      %add3A_1000 = arith.addf %add3A_994, %mul3A_999 : vector<128x384xf32>
      %mul3A_1001 = arith.constant 0.797884583 : f32
      %mul3A_1002 = vector.broadcast %mul3A_1001 : f32 to vector<128x384xf32>
      %mul3A_1003 = arith.mulf %mul3A_1002, %add3A_1000 : vector<128x384xf32>
      %tanh3A_1004 = math.tanh %mul3A_1003 : vector<128x384xf32>
      %add3A_1005 = arith.constant 1.000000e+00 : f32
      %add3A_1006 = vector.broadcast %add3A_1005 : f32 to vector<128x384xf32>
      %add3A_1007 = arith.addf %add3A_1006, %tanh3A_1004 : vector<128x384xf32>
      %mul3A_1008 = arith.constant 5.000000e-01 : f32
      %mul3A_1009 = vector.broadcast %mul3A_1008 : f32 to vector<128x384xf32>
      %mul3A_1010 = arith.mulf %mul3A_1009, %add3A_1007 : vector<128x384xf32>
      %mul3A_1011 = arith.mulf %add3A_994, %mul3A_1010 : vector<128x384xf32>
      %mul3A_1012 = arith.constant 8 : i32
      %mul3A_1013 = arith.muli %while3A_983, %mul3A_1012 : i32
      %sub3A_1014 = arith.subi %get3A_822, %mul3A_1013 : i32
      %mul3A_1015 = arith.constant 16 : i32
      %mul3A_1016 = arith.muli %sub3A_1014, %mul3A_1015 : i32
      %lt3A = vector.broadcast %mul3A_1016 : i32 to vector<1x128xi32>
      %lt3A_1017 = arith.cmpi slt, %iota3A, %lt3A : vector<1x128xi32>
      %convert_element_type3A_1018 = arith.extui %lt3A_1017 : vector<1x128xi1> to vector<1x128xi32>
      %convert_element_type3A_1019 = arith.sitofp %convert_element_type3A_1018 : vector<1x128xi32> to vector<1x128xf32>
      %convert_element_type3A_1020 = arith.truncf %convert_element_type3A_1019 : vector<1x128xf32> to vector<1x128xbf16>
      %convert_element_type3A_1021 = arith.truncf %mul3A_1011 : vector<128x384xf32> to vector<128x384xbf16>
      %dot_general3A_1022 = arith.constant dense<0.000000e+00> : vector<1x384xf32>
      %dot_general3A_1023 = tpu.matmul %convert_element_type3A_1020, %convert_element_type3A_1021, %dot_general3A_1022 {dimension_numbers = #tpu.dot_dimension_numbers<[1], [0], [0], [1], [0, 0, 1, 1], [], []>, transpose_lhs_hint = false} : vector<1x128xbf16>, vector<128x384xbf16>, vector<1x384xf32> -> vector<1x384xf32>
      %add3A_1024 = arith.addf %while3A_984, %dot_general3A_1023 : vector<1x384xf32>
      scf.yield %add3A_1024 : vector<1x384xf32>
    }
    %while3A_862 = arith.constant 1 : i32
    %while3A_863 = scf.for %while3A_983 = %while3A_859 to %while3A_855 step %while3A_862 iter_args(%while3A_984 = %while3A_861) -> (vector<1x384xf32>)  : i32 {
      %mul3A_985 = arith.constant 128 : i32
      %mul3A_986 = arith.muli %while3A_983, %mul3A_985 : i32
      %get3A_987 = arith.constant 14 : index
      %get3A_988 = arith.index_cast %mul3A_986 : i32 to index
      %get3A_989 = arith.constant 0 : index
      %get3A_990 = vector.load %arg2[%get3A_987, %get3A_988, %get3A_989] : memref<16x768x96xbf16, #tpu.memory_space<vmem>>, vector<1x128x96xbf16>
      %get3A_991 = vector.shape_cast %get3A_990 : vector<1x128x96xbf16> to vector<128x96xbf16>
      %dot_general3A_992 = arith.constant dense<0.000000e+00> : vector<128x384xf32>
      %dot_general3A_993 = tpu.matmul %get3A_991, %get3A_1, %dot_general3A_992 {dimension_numbers = #tpu.dot_dimension_numbers<[1], [0], [0], [1], [0, 0, 1, 1], [], []>, transpose_lhs_hint = false} : vector<128x96xbf16>, vector<96x384xbf16>, vector<128x384xf32> -> vector<128x384xf32>
      %add3A_994 = arith.addf %dot_general3A_993, %concatenate3A_820 : vector<128x384xf32>
      %integer_pow3A_995 = arith.mulf %add3A_994, %add3A_994 : vector<128x384xf32>
      %integer_pow3A_996 = arith.mulf %add3A_994, %integer_pow3A_995 : vector<128x384xf32>
      %mul3A_997 = arith.constant 4.471500e-02 : f32
      %mul3A_998 = vector.broadcast %mul3A_997 : f32 to vector<128x384xf32>
      %mul3A_999 = arith.mulf %mul3A_998, %integer_pow3A_996 : vector<128x384xf32>
      %add3A_1000 = arith.addf %add3A_994, %mul3A_999 : vector<128x384xf32>
      %mul3A_1001 = arith.constant 0.797884583 : f32
      %mul3A_1002 = vector.broadcast %mul3A_1001 : f32 to vector<128x384xf32>
      %mul3A_1003 = arith.mulf %mul3A_1002, %add3A_1000 : vector<128x384xf32>
      %tanh3A_1004 = math.tanh %mul3A_1003 : vector<128x384xf32>
      %add3A_1005 = arith.constant 1.000000e+00 : f32
      %add3A_1006 = vector.broadcast %add3A_1005 : f32 to vector<128x384xf32>
      %add3A_1007 = arith.addf %add3A_1006, %tanh3A_1004 : vector<128x384xf32>
      %mul3A_1008 = arith.constant 5.000000e-01 : f32
      %mul3A_1009 = vector.broadcast %mul3A_1008 : f32 to vector<128x384xf32>
      %mul3A_1010 = arith.mulf %mul3A_1009, %add3A_1007 : vector<128x384xf32>
      %mul3A_1011 = arith.mulf %add3A_994, %mul3A_1010 : vector<128x384xf32>
      %mul3A_1012 = arith.constant 8 : i32
      %mul3A_1013 = arith.muli %while3A_983, %mul3A_1012 : i32
      %sub3A_1014 = arith.subi %get3A_822, %mul3A_1013 : i32
      %mul3A_1015 = arith.constant 16 : i32
      %mul3A_1016 = arith.muli %sub3A_1014, %mul3A_1015 : i32
      %lt3A = vector.broadcast %mul3A_1016 : i32 to vector<1x128xi32>
      %lt3A_1017 = arith.cmpi slt, %iota3A, %lt3A : vector<1x128xi32>
      %convert_element_type3A_1018 = arith.extui %lt3A_1017 : vector<1x128xi1> to vector<1x128xi32>
      %convert_element_type3A_1019 = arith.sitofp %convert_element_type3A_1018 : vector<1x128xi32> to vector<1x128xf32>
      %convert_element_type3A_1020 = arith.truncf %convert_element_type3A_1019 : vector<1x128xf32> to vector<1x128xbf16>
      %convert_element_type3A_1021 = arith.truncf %mul3A_1011 : vector<128x384xf32> to vector<128x384xbf16>
      %dot_general3A_1022 = arith.constant dense<0.000000e+00> : vector<1x384xf32>
      %dot_general3A_1023 = tpu.matmul %convert_element_type3A_1020, %convert_element_type3A_1021, %dot_general3A_1022 {dimension_numbers = #tpu.dot_dimension_numbers<[1], [0], [0], [1], [0, 0, 1, 1], [], []>, transpose_lhs_hint = false} : vector<1x128xbf16>, vector<128x384xbf16>, vector<1x384xf32> -> vector<1x384xf32>
      %add3A_1024 = arith.addf %while3A_984, %dot_general3A_1023 : vector<1x384xf32>
      scf.yield %add3A_1024 : vector<1x384xf32>
    }
    %mul3A_864 = arith.constant 16 : i32
    %mul3A_865 = arith.muli %get3A_822, %mul3A_864 : i32
    %max3A_866 = arith.constant 1 : i32
    %max3A_867 = arith.maxsi %mul3A_865, %max3A_866 : i32
    %convert_element_type3A_868 = arith.sitofp %max3A_867 : i32 to f32
    %div3A_869 = vector.broadcast %convert_element_type3A_868 : f32 to vector<1x384xf32>
    %div3A_870 = arith.divf %while3A_863, %div3A_869 : vector<1x384xf32>
    %swap3A_871 = arith.constant 14 : index
    %swap3A_872 = arith.constant 0 : index
    %swap3A_873 = vector.load %arg11[%swap3A_871, %swap3A_872] : memref<16x384xf32, #tpu.memory_space<vmem>>, vector<1x384xf32>
    tpu.vector_store %arg11[%swap3A_871, %swap3A_872], %div3A_870 {strides = array<i32>} : memref<16x384xf32, #tpu.memory_space<vmem>>, vector<1x384xf32>,
    %get3A_874 = arith.constant 240 : index
    %get3A_875 = arith.constant 0 : index
    %get3A_876 = vector.load %arg5[%get3A_874, %get3A_875] : memref<256x384xf32, #tpu.memory_space<vmem>>, vector<16x384xf32>
    %add3A_877 = vector.broadcast %get3A_4 : vector<1x384xf32> to vector<16x384xf32>
    %add3A_878 = arith.addf %get3A_876, %add3A_877 : vector<16x384xf32>
    %concatenate3A_879 = tpu.concatenate %add3A_878, %add3A_878, %add3A_878, %add3A_878, %add3A_878, %add3A_878, %add3A_878, %add3A_878 in 0 : vector<16x384xf32>, vector<16x384xf32>, vector<16x384xf32>, vector<16x384xf32>, vector<16x384xf32>, vector<16x384xf32>, vector<16x384xf32>, vector<16x384xf32> -> vector<128x384xf32>
    %get3A_880 = arith.constant 15 : index
    %get3A_881 = memref.load %arg1[%get3A_880] : memref<16xi32, #tpu.memory_space<smem>>
    %add3A_882 = arith.constant 8 : i32
    %add3A_883 = arith.addi %get3A_881, %add3A_882 : i32
    %sub3A_884 = arith.constant 1 : i32
    %sub3A_885 = arith.subi %add3A_883, %sub3A_884 : i32
    %jit3A_886 = arith.constant 8 : i32
    %div3A_887 = arith.divsi %sub3A_885, %jit3A_886 : i32
    %sign3A_888 = arith.constant 0 : i32
    %sign3A_889 = arith.cmpi sgt, %sub3A_885, %sign3A_888 : i32
    %sign3A_890 = arith.extui %sign3A_889 : i1 to i32
    %sign3A_891 = arith.constant 0 : i32
    %sign3A_892 = arith.cmpi slt, %sub3A_885, %sign3A_891 : i32
    %sign3A_893 = arith.extui %sign3A_892 : i1 to i32
    %sign3A_894 = arith.subi %sign3A_890, %sign3A_893 : i32
    %sign3A_895 = arith.constant 0 : i32
    %sign3A_896 = arith.cmpi sgt, %jit3A_886, %sign3A_895 : i32
    %sign3A_897 = arith.extui %sign3A_896 : i1 to i32
    %sign3A_898 = arith.constant 0 : i32
    %sign3A_899 = arith.cmpi slt, %jit3A_886, %sign3A_898 : i32
    %sign3A_900 = arith.extui %sign3A_899 : i1 to i32
    %sign3A_901 = arith.subi %sign3A_897, %sign3A_900 : i32
    %ne3A_902 = arith.cmpi ne, %sign3A_894, %sign3A_901 : i32
    %rem3A_903 = arith.remsi %sub3A_885, %jit3A_886 : i32
    %ne3A_904 = arith.constant 0 : i32
    %ne3A_905 = arith.cmpi ne, %rem3A_903, %ne3A_904 : i32
    %and3A_906 = arith.andi %ne3A_902, %ne3A_905 : i1
    %sub3A_907 = arith.constant 1 : i32
    %sub3A_908 = arith.subi %div3A_887, %sub3A_907 : i32
    %select_n3A_909 = arith.select %and3A_906, %sub3A_908, %div3A_887 : i32
    %broadcast_in_dim3A_910 = arith.constant 0.000000e+00 : f32
    %broadcast_in_dim3A_911 = vector.broadcast %broadcast_in_dim3A_910 : f32 to vector<1x384xf32>
    %while3A_912 = arith.constant 0 : i32
    %while3A_913 = arith.subi %select_n3A_909, %while3A_912 : i32
    %while3A_914 = arith.addi %while3A_912, %while3A_913 : i32
    %while3A_915 = arith.constant 1 : i32
    %while3A_916 = arith.divsi %while3A_913, %while3A_915 : i32
    %while3A_917 = arith.muli %while3A_916, %while3A_915 : i32
    %while3A_918 = arith.addi %while3A_912, %while3A_917 : i32
    %while3A_919 = arith.constant 1 : i32
    %while3A_920 = scf.for %while3A_983 = %while3A_912 to %while3A_918 step %while3A_919 iter_args(%while3A_984 = %broadcast_in_dim3A_911) -> (vector<1x384xf32>)  : i32 {
      %mul3A_985 = arith.constant 128 : i32
      %mul3A_986 = arith.muli %while3A_983, %mul3A_985 : i32
      %get3A_987 = arith.constant 15 : index
      %get3A_988 = arith.index_cast %mul3A_986 : i32 to index
      %get3A_989 = arith.constant 0 : index
      %get3A_990 = vector.load %arg2[%get3A_987, %get3A_988, %get3A_989] : memref<16x768x96xbf16, #tpu.memory_space<vmem>>, vector<1x128x96xbf16>
      %get3A_991 = vector.shape_cast %get3A_990 : vector<1x128x96xbf16> to vector<128x96xbf16>
      %dot_general3A_992 = arith.constant dense<0.000000e+00> : vector<128x384xf32>
      %dot_general3A_993 = tpu.matmul %get3A_991, %get3A_1, %dot_general3A_992 {dimension_numbers = #tpu.dot_dimension_numbers<[1], [0], [0], [1], [0, 0, 1, 1], [], []>, transpose_lhs_hint = false} : vector<128x96xbf16>, vector<96x384xbf16>, vector<128x384xf32> -> vector<128x384xf32>
      %add3A_994 = arith.addf %dot_general3A_993, %concatenate3A_879 : vector<128x384xf32>
      %integer_pow3A_995 = arith.mulf %add3A_994, %add3A_994 : vector<128x384xf32>
      %integer_pow3A_996 = arith.mulf %add3A_994, %integer_pow3A_995 : vector<128x384xf32>
      %mul3A_997 = arith.constant 4.471500e-02 : f32
      %mul3A_998 = vector.broadcast %mul3A_997 : f32 to vector<128x384xf32>
      %mul3A_999 = arith.mulf %mul3A_998, %integer_pow3A_996 : vector<128x384xf32>
      %add3A_1000 = arith.addf %add3A_994, %mul3A_999 : vector<128x384xf32>
      %mul3A_1001 = arith.constant 0.797884583 : f32
      %mul3A_1002 = vector.broadcast %mul3A_1001 : f32 to vector<128x384xf32>
      %mul3A_1003 = arith.mulf %mul3A_1002, %add3A_1000 : vector<128x384xf32>
      %tanh3A_1004 = math.tanh %mul3A_1003 : vector<128x384xf32>
      %add3A_1005 = arith.constant 1.000000e+00 : f32
      %add3A_1006 = vector.broadcast %add3A_1005 : f32 to vector<128x384xf32>
      %add3A_1007 = arith.addf %add3A_1006, %tanh3A_1004 : vector<128x384xf32>
      %mul3A_1008 = arith.constant 5.000000e-01 : f32
      %mul3A_1009 = vector.broadcast %mul3A_1008 : f32 to vector<128x384xf32>
      %mul3A_1010 = arith.mulf %mul3A_1009, %add3A_1007 : vector<128x384xf32>
      %mul3A_1011 = arith.mulf %add3A_994, %mul3A_1010 : vector<128x384xf32>
      %mul3A_1012 = arith.constant 8 : i32
      %mul3A_1013 = arith.muli %while3A_983, %mul3A_1012 : i32
      %sub3A_1014 = arith.subi %get3A_881, %mul3A_1013 : i32
      %mul3A_1015 = arith.constant 16 : i32
      %mul3A_1016 = arith.muli %sub3A_1014, %mul3A_1015 : i32
      %lt3A = vector.broadcast %mul3A_1016 : i32 to vector<1x128xi32>
      %lt3A_1017 = arith.cmpi slt, %iota3A, %lt3A : vector<1x128xi32>
      %convert_element_type3A_1018 = arith.extui %lt3A_1017 : vector<1x128xi1> to vector<1x128xi32>
      %convert_element_type3A_1019 = arith.sitofp %convert_element_type3A_1018 : vector<1x128xi32> to vector<1x128xf32>
      %convert_element_type3A_1020 = arith.truncf %convert_element_type3A_1019 : vector<1x128xf32> to vector<1x128xbf16>
      %convert_element_type3A_1021 = arith.truncf %mul3A_1011 : vector<128x384xf32> to vector<128x384xbf16>
      %dot_general3A_1022 = arith.constant dense<0.000000e+00> : vector<1x384xf32>
      %dot_general3A_1023 = tpu.matmul %convert_element_type3A_1020, %convert_element_type3A_1021, %dot_general3A_1022 {dimension_numbers = #tpu.dot_dimension_numbers<[1], [0], [0], [1], [0, 0, 1, 1], [], []>, transpose_lhs_hint = false} : vector<1x128xbf16>, vector<128x384xbf16>, vector<1x384xf32> -> vector<1x384xf32>
      %add3A_1024 = arith.addf %while3A_984, %dot_general3A_1023 : vector<1x384xf32>
      scf.yield %add3A_1024 : vector<1x384xf32>
    }
    %while3A_921 = arith.constant 1 : i32
    %while3A_922 = scf.for %while3A_983 = %while3A_918 to %while3A_914 step %while3A_921 iter_args(%while3A_984 = %while3A_920) -> (vector<1x384xf32>)  : i32 {
      %mul3A_985 = arith.constant 128 : i32
      %mul3A_986 = arith.muli %while3A_983, %mul3A_985 : i32
      %get3A_987 = arith.constant 15 : index
      %get3A_988 = arith.index_cast %mul3A_986 : i32 to index
      %get3A_989 = arith.constant 0 : index
      %get3A_990 = vector.load %arg2[%get3A_987, %get3A_988, %get3A_989] : memref<16x768x96xbf16, #tpu.memory_space<vmem>>, vector<1x128x96xbf16>
      %get3A_991 = vector.shape_cast %get3A_990 : vector<1x128x96xbf16> to vector<128x96xbf16>
      %dot_general3A_992 = arith.constant dense<0.000000e+00> : vector<128x384xf32>
      %dot_general3A_993 = tpu.matmul %get3A_991, %get3A_1, %dot_general3A_992 {dimension_numbers = #tpu.dot_dimension_numbers<[1], [0], [0], [1], [0, 0, 1, 1], [], []>, transpose_lhs_hint = false} : vector<128x96xbf16>, vector<96x384xbf16>, vector<128x384xf32> -> vector<128x384xf32>
      %add3A_994 = arith.addf %dot_general3A_993, %concatenate3A_879 : vector<128x384xf32>
      %integer_pow3A_995 = arith.mulf %add3A_994, %add3A_994 : vector<128x384xf32>
      %integer_pow3A_996 = arith.mulf %add3A_994, %integer_pow3A_995 : vector<128x384xf32>
      %mul3A_997 = arith.constant 4.471500e-02 : f32
      %mul3A_998 = vector.broadcast %mul3A_997 : f32 to vector<128x384xf32>
      %mul3A_999 = arith.mulf %mul3A_998, %integer_pow3A_996 : vector<128x384xf32>
      %add3A_1000 = arith.addf %add3A_994, %mul3A_999 : vector<128x384xf32>
      %mul3A_1001 = arith.constant 0.797884583 : f32
      %mul3A_1002 = vector.broadcast %mul3A_1001 : f32 to vector<128x384xf32>
      %mul3A_1003 = arith.mulf %mul3A_1002, %add3A_1000 : vector<128x384xf32>
      %tanh3A_1004 = math.tanh %mul3A_1003 : vector<128x384xf32>
      %add3A_1005 = arith.constant 1.000000e+00 : f32
      %add3A_1006 = vector.broadcast %add3A_1005 : f32 to vector<128x384xf32>
      %add3A_1007 = arith.addf %add3A_1006, %tanh3A_1004 : vector<128x384xf32>
      %mul3A_1008 = arith.constant 5.000000e-01 : f32
      %mul3A_1009 = vector.broadcast %mul3A_1008 : f32 to vector<128x384xf32>
      %mul3A_1010 = arith.mulf %mul3A_1009, %add3A_1007 : vector<128x384xf32>
      %mul3A_1011 = arith.mulf %add3A_994, %mul3A_1010 : vector<128x384xf32>
      %mul3A_1012 = arith.constant 8 : i32
      %mul3A_1013 = arith.muli %while3A_983, %mul3A_1012 : i32
      %sub3A_1014 = arith.subi %get3A_881, %mul3A_1013 : i32
      %mul3A_1015 = arith.constant 16 : i32
      %mul3A_1016 = arith.muli %sub3A_1014, %mul3A_1015 : i32
      %lt3A = vector.broadcast %mul3A_1016 : i32 to vector<1x128xi32>
      %lt3A_1017 = arith.cmpi slt, %iota3A, %lt3A : vector<1x128xi32>
      %convert_element_type3A_1018 = arith.extui %lt3A_1017 : vector<1x128xi1> to vector<1x128xi32>
      %convert_element_type3A_1019 = arith.sitofp %convert_element_type3A_1018 : vector<1x128xi32> to vector<1x128xf32>
      %convert_element_type3A_1020 = arith.truncf %convert_element_type3A_1019 : vector<1x128xf32> to vector<1x128xbf16>
      %convert_element_type3A_1021 = arith.truncf %mul3A_1011 : vector<128x384xf32> to vector<128x384xbf16>
      %dot_general3A_1022 = arith.constant dense<0.000000e+00> : vector<1x384xf32>
      %dot_general3A_1023 = tpu.matmul %convert_element_type3A_1020, %convert_element_type3A_1021, %dot_general3A_1022 {dimension_numbers = #tpu.dot_dimension_numbers<[1], [0], [0], [1], [0, 0, 1, 1], [], []>, transpose_lhs_hint = false} : vector<1x128xbf16>, vector<128x384xbf16>, vector<1x384xf32> -> vector<1x384xf32>
      %add3A_1024 = arith.addf %while3A_984, %dot_general3A_1023 : vector<1x384xf32>
      scf.yield %add3A_1024 : vector<1x384xf32>
    }
    %mul3A_923 = arith.constant 16 : i32
    %mul3A_924 = arith.muli %get3A_881, %mul3A_923 : i32
    %max3A_925 = arith.constant 1 : i32
    %max3A_926 = arith.maxsi %mul3A_924, %max3A_925 : i32
    %convert_element_type3A_927 = arith.sitofp %max3A_926 : i32 to f32
    %div3A_928 = vector.broadcast %convert_element_type3A_927 : f32 to vector<1x384xf32>
    %div3A_929 = arith.divf %while3A_922, %div3A_928 : vector<1x384xf32>
    %swap3A_930 = arith.constant 15 : index
    %swap3A_931 = arith.constant 0 : index
    %swap3A_932 = vector.load %arg11[%swap3A_930, %swap3A_931] : memref<16x384xf32, #tpu.memory_space<vmem>>, vector<1x384xf32>
    tpu.vector_store %arg11[%swap3A_930, %swap3A_931], %div3A_929 {strides = array<i32>} : memref<16x384xf32, #tpu.memory_space<vmem>>, vector<1x384xf32>,
    %get3A_933 = arith.constant 0 : index
    %get3A_934 = arith.constant 0 : index
    %get3A_935 = vector.load %arg11[%get3A_933, %get3A_934] : memref<16x384xf32, #tpu.memory_space<vmem>>, vector<16x384xf32>
    %convert_element_type3A_936 = arith.truncf %get3A_935 : vector<16x384xf32> to vector<16x384xbf16>
    %get3A_937 = arith.constant 0 : index
    %get3A_938 = arith.constant 0 : index
    %get3A_939 = vector.load %arg6[%get3A_937, %get3A_938] : memref<384x384xbf16, #tpu.memory_space<vmem>>, vector<384x384xbf16>
    %dot_general3A = arith.constant dense<0.000000e+00> : vector<16x384xf32>
    %dot_general3A_940 = tpu.matmul %convert_element_type3A_936, %get3A_939, %dot_general3A {dimension_numbers = #tpu.dot_dimension_numbers<[1], [0], [0], [1], [0, 0, 1, 1], [], []>, transpose_lhs_hint = false} : vector<16x384xbf16>, vector<384x384xbf16>, vector<16x384xf32> -> vector<16x384xf32>
    %get3A_941 = arith.constant 0 : index
    %get3A_942 = arith.constant 0 : index
    %get3A_943 = vector.load %arg7[%get3A_941, %get3A_942] : memref<1x384xf32, #tpu.memory_space<vmem>>, vector<1x384xf32>
    %add3A_944 = vector.broadcast %get3A_943 : vector<1x384xf32> to vector<16x384xf32>
    %add3A_945 = arith.addf %dot_general3A_940, %add3A_944 : vector<16x384xf32>
    %integer_pow3A = arith.mulf %add3A_945, %add3A_945 : vector<16x384xf32>
    %integer_pow3A_946 = arith.mulf %add3A_945, %integer_pow3A : vector<16x384xf32>
    %mul3A_947 = arith.constant 4.471500e-02 : f32
    %mul3A_948 = vector.broadcast %mul3A_947 : f32 to vector<16x384xf32>
    %mul3A_949 = arith.mulf %mul3A_948, %integer_pow3A_946 : vector<16x384xf32>
    %add3A_950 = arith.addf %add3A_945, %mul3A_949 : vector<16x384xf32>
    %mul3A_951 = arith.constant 0.797884583 : f32
    %mul3A_952 = vector.broadcast %mul3A_951 : f32 to vector<16x384xf32>
    %mul3A_953 = arith.mulf %mul3A_952, %add3A_950 : vector<16x384xf32>
    %tanh3A = math.tanh %mul3A_953 : vector<16x384xf32>
    %add3A_954 = arith.constant 1.000000e+00 : f32
    %add3A_955 = vector.broadcast %add3A_954 : f32 to vector<16x384xf32>
    %add3A_956 = arith.addf %add3A_955, %tanh3A : vector<16x384xf32>
    %mul3A_957 = arith.constant 5.000000e-01 : f32
    %mul3A_958 = vector.broadcast %mul3A_957 : f32 to vector<16x384xf32>
    %mul3A_959 = arith.mulf %mul3A_958, %add3A_956 : vector<16x384xf32>
    %mul3A_960 = arith.mulf %add3A_945, %mul3A_959 : vector<16x384xf32>
    %convert_element_type3A_961 = arith.truncf %mul3A_960 : vector<16x384xf32> to vector<16x384xbf16>
    %get3A_962 = arith.constant 0 : index
    %get3A_963 = arith.constant 0 : index
    %get3A_964 = vector.load %arg8[%get3A_962, %get3A_963] : memref<384x512xbf16, #tpu.memory_space<vmem>>, vector<384x512xbf16>
    %dot_general3A_965 = arith.constant dense<0.000000e+00> : vector<16x512xf32>
    %dot_general3A_966 = tpu.matmul %convert_element_type3A_961, %get3A_964, %dot_general3A_965 {dimension_numbers = #tpu.dot_dimension_numbers<[1], [0], [0], [1], [0, 0, 1, 1], [], []>, transpose_lhs_hint = false} : vector<16x384xbf16>, vector<384x512xbf16>, vector<16x512xf32> -> vector<16x512xf32>
    %get3A_967 = arith.constant 0 : index
    %get3A_968 = arith.constant 0 : index
    %get3A_969 = vector.load %arg9[%get3A_967, %get3A_968] : memref<1x512xf32, #tpu.memory_space<vmem>>, vector<1x512xf32>
    %add3A_970 = vector.broadcast %get3A_969 : vector<1x512xf32> to vector<16x512xf32>
    %add3A_971 = arith.addf %dot_general3A_966, %add3A_970 : vector<16x512xf32>
    %mul3A_972 = arith.mulf %add3A_971, %add3A_971 : vector<16x512xf32>
    %reduce_sum3A = arith.constant dense<0.000000e+00> : vector<16xf32>
    %reduce_sum3A_973 = vector.multi_reduction <add>, %mul3A_972, %reduce_sum3A [1] : vector<16x512xf32> to vector<16xf32>
    %broadcast_in_dim3A_974 = vector.shape_cast %reduce_sum3A_973 : vector<16xf32> to vector<16x1xf32>
    %sqrt3A = math.sqrt %broadcast_in_dim3A_974 : vector<16x1xf32>
    %max3A_975 = arith.constant 9.99999997E-7 : f32
    %max3A_976 = vector.broadcast %max3A_975 : f32 to vector<16x1xf32>
    %max3A_977 = arith.maximumf %sqrt3A, %max3A_976 : vector<16x1xf32>
    %div3A_978 = vector.broadcast %max3A_977 : vector<16x1xf32> to vector<16x512xf32>
    %div3A_979 = arith.divf %add3A_971, %div3A_978 : vector<16x512xf32>
    %swap3A_980 = arith.constant 0 : index
    %swap3A_981 = arith.constant 0 : index
    %swap3A_982 = vector.load %arg10[%swap3A_980, %swap3A_981] : memref<16x512xf32, #tpu.memory_space<vmem>>, vector<16x512xf32>
    tpu.vector_store %arg10[%swap3A_980, %swap3A_981], %div3A_979 {strides = array<i32>} : memref<16x512xf32, #tpu.memory_space<vmem>>, vector<16x512xf32>,
    return
  }
  func.func @transform_0(%arg0: i32, %arg1: memref<16xi32, #tpu.memory_space<smem>>) -> (i32, i32, i32) {
    %c0_i32 = arith.constant 0 : i32
    %c0_i32_0 = arith.constant 0 : i32
    %c0_i32_1 = arith.constant 0 : i32
    %c0_i32_2 = arith.constant 0 : i32
    return %c0_i32, %c0_i32_0, %c0_i32_1 : i32, i32, i32
  }
  func.func @transform_1(%arg0: i32, %arg1: memref<16xi32, #tpu.memory_space<smem>>) -> (i32, i32) {
    %c0_i32 = arith.constant 0 : i32
    %c0_i32_0 = arith.constant 0 : i32
    %c0_i32_1 = arith.constant 0 : i32
    return %c0_i32, %c0_i32_0 : i32, i32
  }
  func.func @transform_2(%arg0: i32, %arg1: memref<16xi32, #tpu.memory_space<smem>>) -> (i32, i32) {
    %c0_i32 = arith.constant 0 : i32
    %c0_i32_0 = arith.constant 0 : i32
    %c0_i32_1 = arith.constant 0 : i32
    return %c0_i32, %c0_i32_0 : i32, i32
  }
  func.func @transform_3(%arg0: i32, %arg1: memref<16xi32, #tpu.memory_space<smem>>) -> (i32, i32) {
    %c0_i32 = arith.constant 0 : i32
    %c0_i32_0 = arith.constant 0 : i32
    %c0_i32_1 = arith.constant 0 : i32
    return %c0_i32, %c0_i32_0 : i32, i32
  }
  func.func @transform_4(%arg0: i32, %arg1: memref<16xi32, #tpu.memory_space<smem>>) -> (i32, i32) {
    %c0_i32 = arith.constant 0 : i32
    %c0_i32_0 = arith.constant 0 : i32
    %c0_i32_1 = arith.constant 0 : i32
    return %c0_i32, %c0_i32_0 : i32, i32
  }
  func.func @transform_5(%arg0: i32, %arg1: memref<16xi32, #tpu.memory_space<smem>>) -> (i32, i32) {
    %c0_i32 = arith.constant 0 : i32
    %c0_i32_0 = arith.constant 0 : i32
    %c0_i32_1 = arith.constant 0 : i32
    return %c0_i32, %c0_i32_0 : i32, i32
  }
  func.func @transform_6(%arg0: i32, %arg1: memref<16xi32, #tpu.memory_space<smem>>) -> (i32, i32) {
    %c0_i32 = arith.constant 0 : i32
    %c0_i32_0 = arith.constant 0 : i32
    %c0_i32_1 = arith.constant 0 : i32
    return %c0_i32, %c0_i32_0 : i32, i32
  }
  func.func @transform_7(%arg0: i32, %arg1: memref<16xi32, #tpu.memory_space<smem>>) -> (i32, i32) {
    %c0_i32 = arith.constant 0 : i32
    %c0_i32_0 = arith.constant 0 : i32
    %c0_i32_1 = arith.constant 0 : i32
    return %c0_i32, %c0_i32_0 : i32, i32
  }
  func.func @transform_8(%arg0: i32, %arg1: memref<16xi32, #tpu.memory_space<smem>>) -> (i32, i32) {
    %c0_i32 = arith.constant 0 : i32
    %c0_i32_0 = arith.constant 0 : i32
    %c0_i32_1 = arith.constant 0 : i32
    return %c0_i32, %c0_i32_0 : i32, i32
  }
}

</mosaic_0001>

<sc_bundles>
// kernel: kernel.4.cloned.1.call-start
scs
__scs_entry_jumppad:
0x0: {  	(pc) =	sbr.rel $0x88, $3  }
0x1: {  	(tag) =	ssettag $0x0;
	lr =	simm.s32 $0x1  }
0x2: {  	[smem:$0x3F97] =	sst lr;
	_ =	strace $0xD0000000  }
0x3: {  	_ = 	snop  }
0x4: {  	_ = 	snop  }
0x5: {  	_ = 	snop  }
0x6: {  	_ = 	snop  }
0x7: {  	_ = 	snop  }
__scs_overlays_trampoline_lowered:
0x8: {  	[smem:$0x3FA6] =	sst s0  }
0x9: {  	[smem:$0x3FA7] =	sst s1  }
0xa: {  	[smem:$0x3FA8] =	sst s2  }
0xb: {  	[smem:$0x3FA9] =	sst s3  }
0xc: {  	[smem:$0x3FAA] =	sst s4  }
0xd: {  	[smem:$0x3FAB] =	sst s5  }
0xe: {  	[smem:$0x3FAC] =	sst s6  }
0xf: {  	[smem:$0x3FAD] =	sst s7  }
0x10: {  	[smem:$0x3FAE] =	sst s8  }
0x11: {  	[smem:$0x3FAF] =	sst s9;
	s0 =	simm.s32 @!p0 $0x0  }
0x12: {  	s1 =	sld [smem:$0x3F95];
	s0 =	simm.s32 @p0 $0x1  }
0x13: {  	[smem:$0x3FB0] =	sst s0;
	s0 =	simm.s32 @!p1 $0x0  }
0x14: {  	s2 =	sld [smem:$0x3F94];
	s0 =	simm.s32 @p1 $0x1  }
0x15: {  	[smem:$0x3FB1] =	sst s0;
	s0 =	simm.s32 @!p2 $0x0  }
0x16: {  	s3 =	sld [smem:$0x3FDB];
	s0 =	simm.s32 @p2 $0x1  }
0x17: {  	s4 =	simm.s32 $0x1BF5;
	[smem:$0x3FB3] =	sst s0  }
0x18: {  	s0 =	sld [smem:$0x3F96];
	_ =	swait.ge [sflag:s4], $0x0  }
0x19: {  	s7 =	sld [smem:$0x3F97]  }
0x1a: {  	s8 =	sadd.s32 $0xFFFFE003, lr  }
0x1b: {  	s9 =	sadd.s32 $0xFFFFFEF7, lr;
	s5 =	simm.s32 $0xFFFFFFFF;
	p2 =	slt.u32 s8, $0xFFFFF086  }
0x1c: {  	p1 =	slt.u32 s9, $0xF7A;
	s5 =	simm.s32 @!p2 $0x0  }
0x1d: {  	s5 =	simm.s32 @p1 $0x1;
	p0 =	seq.s32 s7, s2  }
0x1e: {  	s7 =	smul.u32 @!p0 $0xF7A, s2;
	p2 =	seq.s32 @!p0 s5, $0x0  }
0x1f: {  	s9 =	smul.u32 $0xF7A, s1;
	s8 =	simm.s32 @!p0 $0x1BF5;
	p2 =	por !p2, p0  }
0x20: {  	[sflag:s8] =	ssyncset.s32 @!p0 $0xFFFFF086;
	s6 =	sadd.s32 @!p0 s3, s7;
	s7 =	simm.s32 @!p0 $0x108  }
0x21: {  	s3 =	sadd.s32 s3, s9;
	s6 =	sadd.s32 @!p0 $0x88, s6;
	s7 =	simm.s32 @p2 $0x1082  }
0x22: {  	[simem:s7], [sflag:s8] =	dma.local @!p0 [hbm:s6], $0xF7A  }
0x23: {  	s9 =	sor.u32 $0xD0000000, s2;
	s6 =	simm.s32 $0x108;
	_ =	swait.ge @!p0 [sflag:s8], $0x0  }
0x24: {  	s3 =	sadd.s32 $0x88, s3;
	s6 =	simm.s32 @!p1 $0x1082;
	[sflag:s4] =	ssyncset.s32 $0xFFFFF086  }
0x25: {  	[simem:s6], [sflag:s4] =	dma.local [hbm:s3], $0xF7A  }
0x26: {  	[smem:$0x3F97] =	sst s1;
	(tag) =	ssettag s2;
	_ =	strace s9  }
0x27: {  	s1 =	sld [smem:$0x3FA7]  }
0x28: {  	s2 =	sld [smem:$0x3FA8]  }
0x29: {  	s4 =	sld [smem:$0x3FAA]  }
0x2a: {  	p0 =	seq.s32 s5, $0x0;
	s5 =	sld [smem:$0x3FAB]  }
0x2b: {  	s6 =	sld [smem:$0x3FAC]  }
0x2c: {  	s7 =	sld [smem:$0x3FAD]  }
0x2d: {  	s3 =	simm.s32 $0x108;
	s8 =	sld [smem:$0x3FAE]  }
0x2e: {  	s3 =	simm.s32 @!p0 $0x1082;
	s9 =	sld [smem:$0x3FAF]  }
0x2f: {  	lr =	sadd.s32 s0, s3;
	s0 =	sld [smem:$0x3FA6]  }
0x30: {  	s3 =	sld [smem:$0x3FA9]  }
0x31: {  	[smem:$0x3FB2] =	sst s10  }
0x32: {  	s10 =	sld [smem:$0x3FB0];
	_ =	sdelay $0x3  }
0x33: {  	p0 =	seq.s32 s10, $0x1;
	s10 =	sld [smem:$0x3FB2];
	_ =	sdelay $0x3  }
0x34: {  	[smem:$0x3FB2] =	sst s10  }
0x35: {  	s10 =	sld [smem:$0x3FB1];
	_ =	sdelay $0x3  }
0x36: {  	p1 =	seq.s32 s10, $0x1;
	s10 =	sld [smem:$0x3FB2];
	_ =	sdelay $0x3  }
0x37: {  	[smem:$0x3FB2] =	sst s10  }
0x38: {  	s10 =	sld [smem:$0x3FB3]  }
0x39: {  	_ = 	snop;
	(pc) =	sbr.ind lr, $3  }
0x3a: {  	_ = 	snop  }
0x3b: {  	_ = 	snop  }
0x3c: {  	p2 =	seq.s32 s10, $0x1;
	s10 =	sld [smem:$0x3FB2]  }
0x3d: {  	_ =	shalt  }
0x3e: {  	_ =	shalt  }
0x3f: {  	_ =	shalt  }
0x40: {  	_ =	shalt  }
0x41: {  	_ =	shalt  }
0x42: {  	_ =	shalt  }
0x43: {  	_ =	shalt  }
0x44: {  	_ =	shalt  }
0x45: {  	_ =	shalt  }
0x46: {  	_ =	shalt  }
0x47: {  	_ =	shalt  }
0x48: {  	_ =	shalt  }
0x49: {  	_ =	shalt  }
0x4a: {  	_ =	shalt  }
0x4b: {  	_ =	shalt  }
0x4c: {  	_ =	shalt  }
0x4d: {  	_ =	shalt  }
0x4e: {  	_ =	shalt  }
0x4f: {  	_ =	shalt  }
0x50: {  	_ =	shalt  }
0x51: {  	_ =	shalt  }
0x52: {  	_ =	shalt  }
0x53: {  	_ =	shalt  }
0x54: {  	_ =	shalt  }
0x55: {  	_ =	shalt  }
0x56: {  	_ =	shalt  }
0x57: {  	_ =	shalt  }
0x58: {  	_ =	shalt  }
0x59: {  	_ =	shalt  }
0x5a: {  	_ =	shalt  }
0x5b: {  	_ =	shalt  }
0x5c: {  	_ =	shalt  }
0x5d: {  	_ =	shalt  }
0x5e: {  	_ =	shalt  }
0x5f: {  	_ =	shalt  }
0x60: {  	_ =	shalt  }
0x61: {  	_ =	shalt  }
0x62: {  	_ =	shalt  }
0x63: {  	_ =	shalt  }
0x64: {  	_ =	shalt  }
0x65: {  	_ =	shalt  }
0x66: {  	_ =	shalt  }
0x67: {  	_ =	shalt  }
0x68: {  	_ =	shalt  }
0x69: {  	_ =	shalt  }
0x6a: {  	_ =	shalt  }
0x6b: {  	_ =	shalt  }
0x6c: {  	_ =	shalt  }
0x6d: {  	_ =	shalt  }
0x6e: {  	_ =	shalt  }
0x6f: {  	_ =	shalt  }
0x70: {  	_ =	shalt  }
0x71: {  	_ =	shalt  }
0x72: {  	_ =	shalt  }
0x73: {  	_ =	shalt  }
0x74: {  	_ =	shalt  }
0x75: {  	_ =	shalt  }
0x76: {  	_ =	shalt  }
0x77: {  	_ =	shalt  }
0x78: {  	_ =	shalt  }
0x79: {  	_ =	shalt  }
0x7a: {  	_ =	shalt  }
0x7b: {  	_ =	shalt  }
0x7c: {  	_ =	shalt  }
0x7d: {  	_ =	shalt  }
0x7e: {  	_ =	shalt  }
0x7f: {  	_ =	shalt  }
0x80: {  	_ =	shalt  }
0x81: {  	_ =	shalt  }
0x82: {  	_ =	shalt  }
0x83: {  	_ =	shalt  }
0x84: {  	_ =	shalt  }
0x85: {  	_ =	shalt  }
0x86: {  	_ =	shalt  }
0x87: {  	_ =	shalt  }
.Lfunc_end0:
.L_simem_size_0:
called_computation_lowered:
.L_overlay_start_0:
0x88: {  	s2 =	sld [smem:$0x3FD9]  }
0x89: {  	s3 =	sld [smem:$0x3FFE];
	_ =	sdelay $0x1  }
0x8a: {  	s1 =	srdreg.scid  }
0x8b: {  	s0 =	sand.u32 $0x1, s1  }
0x8c: {  	s17 =	sshll.u32 s0, $0xA;
	s2 =	sadd.s32 s3, s2  }
0x8d: {  	s2 =	sadd.s32 s2, s17  }
0x8e: {  	[smem:$0x3FBE] =	sst s2  }
0x8f: {  	_ = 	snop  }
0x90: {  	s2 =	sld [smem:$0x3FC4]  }
0x91: {  	s18 =	sld [smem:$0x3FD0];
	(tm) =	ssettm $0x1  }
0x92: {  	s4 =	sld [smem:$0x3FFB];
	_ =	sdelay $0x3  }
0x93: {  	_ =	strace s4  }
0x94: {  	s4 =	sld [smem:$0x3FFC];
	_ =	sdelay $0x3  }
0x95: {  	_ =	strace s4  }
0x96: {  	s4 =	sld [smem:$0x3FFD];
	_ =	sdelay $0x3  }
0x97: {  	_ =	strace s4  }
0x98: {  	_ =	strace $0x8FFFFFFF  }
0x99: {  	s19 =	sld [smem:$0x3FDB];
	_ =	sdelay $0x1  }
0x9a: {  	s5 =	simm.s32 $_scs_section_size  }
0x9b: {  	s6 =	simm.s32 $_size__tile_overlayer_lowered;
	s7 =	simm.s32 $_tile_overlayer_lowered  }
0x9c: {  	s22 =	simm.s32 $0x1BFF;
	s21 =	sshll.u32 s7, $0x1;
	s4 =	sadd.s32 s5, s19  }
0x9d: {  	s8 =	simm.s32 $0x0;
	s20 =	sshll.u32 s6, $0x1;
	s6 =	sadd.s32 s21, s4  }
0x9e: {  	[timem:s8], [sflag:s22] =	dma.local [hbm:s6], s20  }
0x9f: {  	_ =	swait.ge [sflag:s22], s20  }
0xa0: {  	s5 =	ssub.s32 $0x0, s20;
	[sflag:s22] =	ssyncset.done $0x0  }
0xa1: {  	[sflag:s22] =	ssyncadd.s32 s5;
	_ =	sdelay $0x1  }
0xa2: {  	s23 =	simm.s32 $0x1B8B  }
0xa3: {  	_ =	swait.ge [sflag:s23], $0x1  }
0xa4: {  	[sflag:s23] =	ssyncset.done $0x0  }
0xa5: {  	s25 =	simm.s32 $0x1B8E;
	s24 =	sld [smem:$0x3FFE];
	[sflag:s23] =	ssyncadd.s32 $0xFFFFFFFF  }
0xa6: {  	s26 =	simm.s32 $execute0_lowered;
	[smem:$0x3FD2] =	sst s25  }
0xa7: {  	s6 =	sshll.u32 s26, $0x1;
	_ =	strace $0x80000046;
	[dreg:$0x1] =	wrdreg $0xFFFFFFFF  }
0xa8: {  	s28 =	simm.s32 $_size_execute0_lowered;
	s4 =	sadd.s32 s4, s6;
	[dreg:$0x0] =	wrdreg $0x0  }
0xa9: {  	s6 =	sshll.u32 s28, $0x1;
	[dreg:$0x2] =	wrdreg s4  }
0xaa: {  	[dreg:$0x3] =	wrdreg s6  }
0xab: {  	[dreg:$0x4] =	wrdreg $0xC0  }
0xac: {  	_ =	task [dreg:s8], $0x5FFFF  }
0xad: {  	[dreg:$0x1] =	wrdreg $0xFFFFFFFF  }
0xae: {  	[dreg:$0x0] =	wrdreg $0x60  }
0xaf: {  	[dreg:$0x2] =	wrdreg s2  }
0xb0: {  	[dreg:$0x3] =	wrdreg s18  }
0xb1: {  	[dreg:$0x4] =	wrdreg s24  }
0xb2: {  	[dreg:$0x5] =	wrdreg $0x9  }
0xb3: {  	_ =	task.clear_ibuf [dreg:s8], $0x6FFFF;
	_ =	strace $0x90000046  }
0xb4: {  	s29 =	simm.s32 $0x9;
	_ =	strace $0x80000048  }
0xb5: {  	_ =	swait.ge [sflag:s29], $0x1  }
0xb6: {  	[sflag:s29] =	ssyncadd.s32 $0xFFFFFFFF  }
0xb7: {  	_ =	strace $0x90000048  }
0xb8: {  	_ =	sfence  }
0xb9: {  	s30 =	sld [smem:$0x0];
	_ =	sdelay $0x2  }
0xba: {  	s31 =	sshll.u32 s1, $0xD;
	s1 =	sshrl.u32 s1, $0x2  }
0xbb: {  	s3 =	sand.u32 $0x4000, s31;
	s1 =	sadd.s32 s1, s30  }
0xbc: {  	s0 =	sor.u32 s3, s0;
	s1 =	sshll.u32 s1, $0x11  }
0xbd: {  	s0 =	sor.u32 s1, s0  }
0xbe: {  	s0 =	sadd.s32 $0x8F2B, s0  }
0xbf: {  	[sflag:s0] =	ssyncadd.remote.s32 $0x1  }
0xc0: {  	_ =	sfence.sel $0xFFFF  }
0xc1: {  	[dreg:$0x0] =	wrdreg $0xFFFFFFFF;
	(pc) =	sbr.abs _section_cstart, $3  }
0xc2: {  	[dreg:$0x1] =	wrdreg $0xFFFFFFFF  }
0xc3: {  	_ =	task.clear_ibuf [dreg:s8], $0x2FFFF;
	_ =	strace $0x9FFFFFFF  }
0xc4: {  	(tm) =	ssettm $0x7FFFFFFF  }
0xc5: {  	_ =	shalt  }
tec
execute0_lowered:
.L_overlay_start_1:
0x0: {  	(tag) =	ssettag $0x1  }
0x1: {  	s2 =	rddreg [dreg:$0x0]  }
0x2: {  	s4 =	rddreg [dreg:$0x1]  }
0x3: {  	s10 =	rddreg [dreg:$0x2]  }
0x4: {  	s0 =	rddreg [dreg:$0x3]  }
0x5: {  	s5 =	srdreg.scid;
	s1 =	stileid.u32  }
0x6: {  	s3 =	simm.s32 $0x0;
	s6 =	sand.u32 $0x1, s5;
	s30 =	sshll.u32 s1, $0x1  }
0x7: {  	[smem:$0x7FF] =	sst s3;
	s7 =	sor.u32 s6, s30  }
0x8: {  	_ =	strace $0x80000047;
	s5 =	sadd.s32 s4, s7;
	s4 =	simm.s32 $0x2  }
0x9: {  	[tilespmem:s3], [sflag:$0x2] =	stream.linear.gather [hbm4b:s5+s3], $0x8, $0x38;
	[tilespmem:$0xC80] =	vst v63  }
0xa: {  	_ =	swait.ge [sflag:s4], $0x8  }
0xb: {  	[sflag:s4] =	ssyncset.done $0x0  }
0xc: {  	[sflag:s4] =	ssyncadd.s32 $0xFFFFFFF8  }
0xd: {  	v0 =	vld.msk [tilespmem:$0x0], $0xff;
	_ =	sdelay $0x4  }
0xe: {  	v1 =	vshrl.u32 v0, $0x3  }
0xf: {  	v1 =	vmul.u32 $0x18, v1  }
0x10: {  	v2 =	vlaneseq.u32;
	v3 =	vand.u32 $0x7, v0  }
0x11: {  	v0 =	vand.u32 $0x7, v2;
	v2 =	vshrl.u32 v2, $0x3;
	v3 =	vor.u32 v3, v1  }
0x12: {  	v1 =	vmul.u32 $0x8, v2;
	v2 =	vperm.xlane v3, v0;
	_ =	sdelay $0x1  }
0x13: {  	v2 =	vadd.s32 v1, v2;
	_ =	sdelay $0x1  }
0x14: {  	s12 =	ssub.s32 $0x2, s6  }
0x15: {  	s8 =	simm.s32 $0x880;
	s9 =	simm.s32 $0x1;
	s13 =	sshrl.u32 s12, $0x1  }
0x16: {  	vm0 =	vmmov $0xffff;
	s6 =	simm.s32 $0x80;
	s11 =	smul.u32 $0x180, s7;
	s31 =	ssub.s32 s12, s13  }
0x17: {  	[tilespmem:s6], [sflag:$0x1] =	stream.indirect_vreg.gather [hbm4b:s2+s3], $0x80, v2, vm0, $0xb8;
	[tilespmem:$0xC80] =	vst v63  }
0x18: {  	vm1 =	vmmov $0xff;
	s7 =	sadd.s32 $0x100, s2;
	s10 =	sadd.s32 s11, s10;
	s11 =	smax.u32 s31, $0x1  }
0x19: {  	[tilespmem:s8], [sflag:$0x1] =	stream.indirect_vreg.gather [hbm4b:s7+s3], $0x80, v2, vm1, $0xb8;
	[tilespmem:$0xC80] =	vst v63  }
0x1a: {  	p0 =	sne.s32 s11, $0x1;
	_ =	swait.ge [sflag:s9], $0xC00  }
.Ltmp0:
0x1b: {  	[sflag:s9] =	ssyncset.done $0x0;
	(pc) =	sbr.rel @!p0 .LBB2_2-.Ltmp0, $4  }
0x1c: {  	s10 =	sadd.s32 $0x1400, s10;
	[sflag:s9] =	ssyncadd.s32 $0xFFFFF400  }
0x1d: {  	[hbm4b:s10+s3] =	stream.linear.scatter [tilespmem:s6], [sflag:$0x2], $0xC00, $0x38;
	[tilespmem:$0xC80] =	vst v63  }
0x1e: {  	_ =	swait.ge [sflag:s4], $0xC00  }
0x1f: {  	s11 =	sadd.s32 $0xFFFFFFFF, s11;
	[sflag:s4] =	ssyncset.done $0x0  }
.LBB2_1:
0x20: {  	p0 =	sne.s32 s11, $0x1;
	s11 =	sadd.s32 $0xFFFFFFFF, s11;
	[sflag:s4] =	ssyncadd.s32 $0xFFFFF400  }
0x21: {  	[tilespmem:s3], [sflag:$0x2] =	stream.linear.gather [hbm4b:s5+s3], $0x8, $0x38;
	[tilespmem:$0xC80] =	vst v63  }
0x22: {  	_ =	swait.ge [sflag:s4], $0x8  }
0x23: {  	[sflag:s4] =	ssyncset.done $0x0  }
0x24: {  	[sflag:s4] =	ssyncadd.s32 $0xFFFFFFF8  }
0x25: {  	v2 =	vld.msk [tilespmem:$0x0], $0xff;
	_ =	sdelay $0x4  }
0x26: {  	v3 =	vshrl.u32 v2, $0x3  }
0x27: {  	v3 =	vmul.u32 $0x18, v3  }
0x28: {  	v2 =	vand.u32 $0x7, v2  }
0x29: {  	v2 =	vor.u32 v2, v3  }
0x2a: {  	v2 =	vperm.xlane v2, v0;
	_ =	sdelay $0x1  }
0x2b: {  	v2 =	vadd.s32 v1, v2;
	_ =	sdelay $0x4  }
0x2c: {  	[tilespmem:s6], [sflag:$0x1] =	stream.indirect_vreg.gather [hbm4b:s2+s3], $0x80, v2, vm0, $0xb8;
	[tilespmem:$0xC80] =	vst v63  }
0x2d: {  	_ = 	snop  }
0x2e: {  	[tilespmem:s8], [sflag:$0x1] =	stream.indirect_vreg.gather [hbm4b:s7+s3], $0x80, v2, vm1, $0xb8;
	[tilespmem:$0xC80] =	vst v63  }
0x2f: {  	_ =	swait.ge [sflag:s9], $0xC00  }
.Ltmp1:
0x30: {  	[sflag:s9] =	ssyncset.done $0x0;
	(pc) =	sbr.rel @p0 .LBB2_1-.Ltmp1, $4  }
0x31: {  	[sflag:s9] =	ssyncadd.s32 $0xFFFFF400  }
0x32: {  	[hbm4b:s10+s3] =	stream.linear.scatter [tilespmem:s6], [sflag:$0x2], $0xC00, $0x38;
	[tilespmem:$0xC80] =	vst v63  }
0x33: {  	_ =	swait.ge [sflag:s4], $0xC00  }
0x34: {  	[sflag:s4] =	ssyncset.done $0x0  }
.LBB2_2:
0x35: {  	[sflag:s4] =	ssyncadd.s32 $0xFFFFF400  }
0x36: {  	_ =	sfence.sel $0x180000  }
0x37: {  	[bflag:$0x0] =	sbarrier.arrive $0xFFFF  }
0x38: {  	p0 =	sne.s32 s1, $0x0;
	_ =	strace $0x90000047  }
0x39: {  	s0 =	sadd.s32 @!p0 $0x100000, s0;
	[bflag:$0x2] =	sbarrier.arrive $0xFFFF  }
0x3a: {  	[sflag:s0] =	ssyncadd.tile.s32 @!p0 $0x1;
	_ =	shalt  }
.Lfunc_end2:
_tile_overlayer_lowered:
.L_overlay_start_2:
0x3b: {  	(tag) =	ssettag $0x2  }
0x3c: {  	s0 =	rddreg [dreg:$0x0];
	s2 =	stileid.u32  }
0x3d: {  	s1 =	rddreg [dreg:$0x1];
	p0 =	sne.s32 s2, $0x0  }
0x3e: {  	s3 =	rddreg [dreg:$0x2];
	[bflag:$0x3] =	sbarrier.arrive $0xFFFF;
	s2 =	simm.s32 @!p0 $0x1C02  }
0x3f: {  	[timem:s3], [sflag:s2] =	dma.local @!p0 [hbm:s0], s1  }
0x40: {  	s0 =	simm.s32 @!p0 $0x2  }
0x41: {  	_ =	swait.ge @!p0 [sflag:s0], s1  }
0x42: {  	s1 =	ssub.s32 @!p0 $0x0, s1;
	[sflag:s0] =	ssyncset.done @!p0 $0x0  }
0x43: {  	[sflag:s0] =	ssyncadd.s32 @!p0 s1  }
0x44: {  	[bflag:$0x3] =	sbarrier.arrive $0xFFFF  }
0x45: {  	_ =	shalt  }

</sc_bundles>
